<compile_context>
chip_gen: v7x
topology: tpu7x:2x2x1
jax: 0.10.2.dev20260603
libtpu: 0.0.44.dev20260713+nightly
codegen_flags: <defaults>
</compile_context>

<pallas_src>
import functools

import jax
import jax.numpy as jnp
from jax import lax
from jax.experimental import pallas as pl
from jax.experimental.pallas import tpu as pltpu
from jax.experimental.pallas import tpu_sc as plsc

GRID = 32
DSUB = 128
DM = 3 * DSUB
NC = 2
NS = 16
NW = NC * NS
OB = 40
RB = 3 * OB
GAHEAD = 2
NBUF = 2 * GAHEAD


def _gather_kernel(n_b, n_t):
  n_tok = n_b * n_t
  assert n_tok % (NW * OB) == 0 and n_t % OB == 0
  nblk = n_tok // (NW * OB)
  bpw = n_t // OB
  n_idx = n_tok * 3 // NW
  mesh = plsc.VectorSubcoreMesh(core_axis_name="c", subcore_axis_name="s")

  @functools.partial(
      pl.kernel,
      out_type=jax.ShapeDtypeStruct((n_b, n_t, DM), jnp.float32),
      mesh=mesh,
      scratch_types=[
          pltpu.VMEM((n_idx,), jnp.int32),
          pltpu.VMEM((NBUF, 3, OB, DSUB), jnp.float32),
          pltpu.VMEM_SHARED((3 * GRID, DSUB), jnp.float32),
          pltpu.SemaphoreType.DMA,
          pltpu.SemaphoreType.DMA,
      ],
  )
  def k(table_hbm, xs_hbm, ys_hbm, zs_hbm, out_hbm, idx_v, rowbuf, shared_tab,
        gsem, wsem):
    c = lax.axis_index("c")
    s = lax.axis_index("s")
    wid = c * NS + s

    @pl.when(s == 0)
    def _():
      pltpu.sync_copy(table_hbm, shared_tab)

    plsc.subcore_barrier()

    n_ph = n_idx // 3
    pltpu.sync_copy(xs_hbm.at[pl.ds(wid * n_ph, n_ph)],
                    idx_v.at[pl.ds(0, n_ph)])
    pltpu.sync_copy(ys_hbm.at[pl.ds(wid * n_ph, n_ph)],
                    idx_v.at[pl.ds(n_ph, n_ph)])
    pltpu.sync_copy(zs_hbm.at[pl.ds(wid * n_ph, n_ph)],
                    idx_v.at[pl.ds(2 * n_ph, n_ph)])

    def rowfix(r, carry):
      for j in (1, 2):
        sl = pl.ds(j * n_ph + r * 16, 16)
        idx_v[sl] = idx_v[sl] + j * GRID
      return carry

    lax.fori_loop(0, n_ph // 16, rowfix, 0)

    def gather(b):
      buf = lax.rem(b, NBUF)
      for j in range(3):
        pltpu.async_copy(
            shared_tab.at[idx_v.at[pl.ds(j * n_ph + b * OB, OB)]],
            rowbuf.at[buf, j], gsem)

    def wait_gather(b):
      buf = lax.rem(b, NBUF)
      for j in range(3):
        pltpu.make_async_copy(
            shared_tab.at[idx_v.at[pl.ds(j * n_ph + b * OB, OB)]],
            rowbuf.at[buf, j], gsem).wait()

    def out_slice(b, j):
      blk = wid * nblk + b
      return out_hbm.at[blk // bpw,
                        pl.ds(lax.rem(blk, bpw) * OB, OB),
                        pl.ds(j * DSUB, DSUB)]

    def start_write(b):
      buf = lax.rem(b, NBUF)
      for j in range(3):
        pltpu.async_copy(rowbuf.at[buf, j], out_slice(b, j), wsem)

    def wait_write(b):
      buf = lax.rem(b, NBUF)
      for j in range(3):
        pltpu.make_async_copy(rowbuf.at[buf, j], out_slice(b, j),
                              wsem).wait()

    for b in range(min(GAHEAD, nblk)):
      gather(b)

    def blk(b, carry):
      wait_gather(b)
      start_write(b)

      @pl.when(b >= GAHEAD)
      def _():
        wait_write(b - GAHEAD)

      @pl.when(b + GAHEAD < nblk)
      def _():
        gather(b + GAHEAD)

      return carry

    lax.fori_loop(0, nblk, blk, 0)

    def drain(b, carry):
      wait_write(b)
      return carry

    lax.fori_loop(max(nblk - GAHEAD, 0), nblk, drain, 0)

  return k


def kernel(batch, pe):
  n_b, n_t, _ = batch.shape
  tab_x = pe[:, 0, 0, 0:DSUB]
  tab_y = pe[0, :, 0, DSUB:2 * DSUB]
  tab_z = pe[0, 0, :, 2 * DSUB:3 * DSUB]
  table = jnp.concatenate([tab_x, tab_y, tab_z], axis=0)
  coords = batch.reshape(n_b * n_t, 3).astype(jnp.int32)
  xs, ys, zs = coords[:, 0], coords[:, 1], coords[:, 2]
  return _gather_kernel(n_b, n_t)(table, xs, ys, zs)

# --- scband reference (transcript-rebuilt; emitter-appended) ---
"""Pipeline reference for scband-positional-embedding3-d-4140348473376 (READ-ONLY COPY).

The authoritative reference and input builder live on the scoring server;
editing this copy changes nothing except your own understanding.
"""

import jax, jax.numpy as jnp
import numpy as np
import math

D_MODEL_ = 384
GRID = 32
MAX_LEN = 5000


def _build_pe(d_model_, grid, max_len):
    gx = gy = gz = grid
    d_model = int(np.floor(d_model_ / 3))
    div_term = jnp.exp(jnp.arange(0, d_model, 2, dtype=jnp.float32) * (-(math.log(10000.0) / d_model)))
    position = jnp.arange(0, max_len, dtype=jnp.float32)[:, None]
    pe1 = jnp.zeros((max_len, d_model), dtype=jnp.float32)
    pe1 = pe1.at[:, 0::2].set(jnp.sin(position * div_term))
    pe1 = pe1.at[:, 1::2].set(jnp.cos(position * div_term))
    px = jnp.broadcast_to(pe1[:gx][:, None, None, :], (gx, gy, gz, d_model))
    py = jnp.broadcast_to(pe1[:gy][None, :, None, :], (gx, gy, gz, d_model))
    pz = jnp.broadcast_to(pe1[:gz][None, None, :, :], (gx, gy, gz, d_model_ - 2 * d_model))
    pe = jnp.concatenate([px, py, pz], axis=-1)
    return pe


def setup_inputs(seed: int = 0) -> dict:
    key = jax.random.key(seed)
    k1, _ = jax.random.split(key)
    batch = jax.random.randint(k1, (1024, 200, 3), 0, GRID, dtype=jnp.int32)
    pe = _build_pe(D_MODEL_, GRID, MAX_LEN)
    return {"batch": batch, "pe": pe}


def reference(batch, pe):
    coords = batch.reshape(-1, batch.shape[-1]).astype(jnp.int32)
    coords = coords.T
    xs, ys, zs = coords[0], coords[1], coords[2]
    out = pe[xs, ys, zs]
    return out.reshape(batch.shape[0], -1, D_MODEL_)

if __name__ == "__main__":
    import jax
    _d = setup_inputs()
    print(jax.jit(kernel)(*tuple(_d.values())))

</pallas_src>

<mosaic_0001>
#map = affine_map<(d0, d1) -> (0, 0)>
#map1 = affine_map<(d0, d1) -> (0)>
#map2 = affine_map<(d0, d1) -> (0, 0, 0)>
module attributes {stable_mosaic.version = 14 : i64} {
  func.func @k(%arg0: i32, %arg1: i32, %arg2: memref<96x128xf32, #tpu.memory_space<hbm>>, %arg3: memref<204800xi32, #tpu.memory_space<hbm>>, %arg4: memref<204800xi32, #tpu.memory_space<hbm>>, %arg5: memref<204800xi32, #tpu.memory_space<hbm>>, %arg6: memref<1024x200x384xf32, #tpu.memory_space<hbm>>, %arg7: memref<19200xi32, #tpu.memory_space<vmem>>, %arg8: memref<4x3x40x128xf32, #tpu.memory_space<vmem>>, %arg9: memref<96x128xf32, #tpu.memory_space<vmem_shared>>, %arg10: memref<!tpu.dma_semaphore, #tpu.memory_space<semaphore_mem>>, %arg11: memref<!tpu.dma_semaphore, #tpu.memory_space<semaphore_mem>>) attributes {dimension_semantics = [#tpu.dimension_semantics<core_parallel>, #tpu.dimension_semantics<subcore_parallel>], iteration_bounds = array<i64: 2, 16>, scalar_prefetch = 0 : i64, scratch_operands = 5 : i64, tpu.core_type = #tpu.core_type<sc_vector_subcore>, window_params = [{transform_indices = #map}, {transform_indices = #map1}, {transform_indices = #map1}, {transform_indices = #map1}, {transform_indices = #map2}]} {
    %mul3A = arith.constant 16 : i32
    %mul3A_0 = arith.muli %arg0, %mul3A : i32
    %add3A = arith.addi %mul3A_0, %arg1 : i32
    %eq3A = arith.constant 0 : i32
    %eq3A_1 = arith.cmpi eq, %arg1, %eq3A : i32
    %convert_element_type3A = arith.extui %eq3A_1 : i1 to i32
    %cond3A = arith.constant 0 : i32
    %cond3A_2 = arith.cmpi ne, %convert_element_type3A, %cond3A : i32
    scf.if %cond3A_2 {
      "tpu.region"() ({
        %run_scoped3A = tpu.sem_alloc : memref<!tpu.dma_semaphore, #tpu.memory_space<semaphore_mem>>
        tpu.enqueue_dma source(%arg2 : memref<96x128xf32, #tpu.memory_space<hbm>>) target(%arg9 : memref<96x128xf32, #tpu.memory_space<vmem_shared>>) target_semaphore(%run_scoped3A : memref<!tpu.dma_semaphore, #tpu.memory_space<semaphore_mem>>)
        tpu.wait_dma2 semaphore(%run_scoped3A : memref<!tpu.dma_semaphore, #tpu.memory_space<semaphore_mem>>) src(%arg2 : memref<96x128xf32, #tpu.memory_space<hbm>>) dst(%arg9 : memref<96x128xf32, #tpu.memory_space<vmem_shared>>)
        tpu.yield
      }) : () -> ()
    } else {
    }
    %barrier3A = arith.constant 0 : index
    tpu.barrier barrier_id(%barrier3A)
    %mul3A_3 = arith.constant 6400 : i32
    %mul3A_4 = arith.muli %add3A, %mul3A_3 : i32
    "tpu.region"() ({
      %run_scoped3A = tpu.sem_alloc : memref<!tpu.dma_semaphore, #tpu.memory_space<semaphore_mem>>
      %dma_start3A_90 = arith.constant 0 : i32
      %dma_start3A_91 = tpu.memref_slice %arg7[%dma_start3A_90] : memref<19200xi32, #tpu.memory_space<vmem>> -> memref<6400xi32, #tpu.memory_space<vmem>>
      %dma_start3A_92 = tpu.memref_slice %arg3[%mul3A_4] : memref<204800xi32, #tpu.memory_space<hbm>> -> memref<6400xi32, #tpu.memory_space<hbm>>
      %dma_start3A_93 = arith.constant 0 : i32
      %dma_start3A_94 = tpu.memref_slice %arg7[%dma_start3A_93] : memref<19200xi32, #tpu.memory_space<vmem>> -> memref<6400xi32, #tpu.memory_space<vmem>>
      %dma_start3A_95 = tpu.memref_slice %arg3[%mul3A_4] : memref<204800xi32, #tpu.memory_space<hbm>> -> memref<6400xi32, #tpu.memory_space<hbm>>
      tpu.enqueue_dma source(%dma_start3A_95 : memref<6400xi32, #tpu.memory_space<hbm>>) target(%dma_start3A_94 : memref<6400xi32, #tpu.memory_space<vmem>>) target_semaphore(%run_scoped3A : memref<!tpu.dma_semaphore, #tpu.memory_space<semaphore_mem>>)
      %dma_wait3A = arith.constant 0 : i32
      %dma_wait3A_96 = tpu.memref_slice %arg7[%dma_wait3A] : memref<19200xi32, #tpu.memory_space<vmem>> -> memref<6400xi32, #tpu.memory_space<vmem>>
      %dma_wait3A_97 = tpu.memref_slice %arg3[%mul3A_4] : memref<204800xi32, #tpu.memory_space<hbm>> -> memref<6400xi32, #tpu.memory_space<hbm>>
      %dma_wait3A_98 = arith.constant 0 : i32
      %dma_wait3A_99 = tpu.memref_slice %arg7[%dma_wait3A_98] : memref<19200xi32, #tpu.memory_space<vmem>> -> memref<6400xi32, #tpu.memory_space<vmem>>
      %dma_wait3A_100 = tpu.memref_slice %arg3[%mul3A_4] : memref<204800xi32, #tpu.memory_space<hbm>> -> memref<6400xi32, #tpu.memory_space<hbm>>
      tpu.wait_dma2 semaphore(%run_scoped3A : memref<!tpu.dma_semaphore, #tpu.memory_space<semaphore_mem>>) src(%dma_wait3A_100 : memref<6400xi32, #tpu.memory_space<hbm>>) dst(%dma_wait3A_99 : memref<6400xi32, #tpu.memory_space<vmem>>)
      tpu.yield
    }) : () -> ()
    %mul3A_5 = arith.constant 6400 : i32
    %mul3A_6 = arith.muli %add3A, %mul3A_5 : i32
    "tpu.region"() ({
      %run_scoped3A = tpu.sem_alloc : memref<!tpu.dma_semaphore, #tpu.memory_space<semaphore_mem>>
      %dma_start3A_90 = arith.constant 6400 : i32
      %dma_start3A_91 = tpu.memref_slice %arg7[%dma_start3A_90] : memref<19200xi32, #tpu.memory_space<vmem>> -> memref<6400xi32, #tpu.memory_space<vmem>>
      %dma_start3A_92 = tpu.memref_slice %arg4[%mul3A_6] : memref<204800xi32, #tpu.memory_space<hbm>> -> memref<6400xi32, #tpu.memory_space<hbm>>
      %dma_start3A_93 = arith.constant 6400 : i32
      %dma_start3A_94 = tpu.memref_slice %arg7[%dma_start3A_93] : memref<19200xi32, #tpu.memory_space<vmem>> -> memref<6400xi32, #tpu.memory_space<vmem>>
      %dma_start3A_95 = tpu.memref_slice %arg4[%mul3A_6] : memref<204800xi32, #tpu.memory_space<hbm>> -> memref<6400xi32, #tpu.memory_space<hbm>>
      tpu.enqueue_dma source(%dma_start3A_95 : memref<6400xi32, #tpu.memory_space<hbm>>) target(%dma_start3A_94 : memref<6400xi32, #tpu.memory_space<vmem>>) target_semaphore(%run_scoped3A : memref<!tpu.dma_semaphore, #tpu.memory_space<semaphore_mem>>)
      %dma_wait3A = arith.constant 6400 : i32
      %dma_wait3A_96 = tpu.memref_slice %arg7[%dma_wait3A] : memref<19200xi32, #tpu.memory_space<vmem>> -> memref<6400xi32, #tpu.memory_space<vmem>>
      %dma_wait3A_97 = tpu.memref_slice %arg4[%mul3A_6] : memref<204800xi32, #tpu.memory_space<hbm>> -> memref<6400xi32, #tpu.memory_space<hbm>>
      %dma_wait3A_98 = arith.constant 6400 : i32
      %dma_wait3A_99 = tpu.memref_slice %arg7[%dma_wait3A_98] : memref<19200xi32, #tpu.memory_space<vmem>> -> memref<6400xi32, #tpu.memory_space<vmem>>
      %dma_wait3A_100 = tpu.memref_slice %arg4[%mul3A_6] : memref<204800xi32, #tpu.memory_space<hbm>> -> memref<6400xi32, #tpu.memory_space<hbm>>
      tpu.wait_dma2 semaphore(%run_scoped3A : memref<!tpu.dma_semaphore, #tpu.memory_space<semaphore_mem>>) src(%dma_wait3A_100 : memref<6400xi32, #tpu.memory_space<hbm>>) dst(%dma_wait3A_99 : memref<6400xi32, #tpu.memory_space<vmem>>)
      tpu.yield
    }) : () -> ()
    %mul3A_7 = arith.constant 6400 : i32
    %mul3A_8 = arith.muli %add3A, %mul3A_7 : i32
    "tpu.region"() ({
      %run_scoped3A = tpu.sem_alloc : memref<!tpu.dma_semaphore, #tpu.memory_space<semaphore_mem>>
      %dma_start3A_90 = arith.constant 12800 : i32
      %dma_start3A_91 = tpu.memref_slice %arg7[%dma_start3A_90] : memref<19200xi32, #tpu.memory_space<vmem>> -> memref<6400xi32, #tpu.memory_space<vmem>>
      %dma_start3A_92 = tpu.memref_slice %arg5[%mul3A_8] : memref<204800xi32, #tpu.memory_space<hbm>> -> memref<6400xi32, #tpu.memory_space<hbm>>
      %dma_start3A_93 = arith.constant 12800 : i32
      %dma_start3A_94 = tpu.memref_slice %arg7[%dma_start3A_93] : memref<19200xi32, #tpu.memory_space<vmem>> -> memref<6400xi32, #tpu.memory_space<vmem>>
      %dma_start3A_95 = tpu.memref_slice %arg5[%mul3A_8] : memref<204800xi32, #tpu.memory_space<hbm>> -> memref<6400xi32, #tpu.memory_space<hbm>>
      tpu.enqueue_dma source(%dma_start3A_95 : memref<6400xi32, #tpu.memory_space<hbm>>) target(%dma_start3A_94 : memref<6400xi32, #tpu.memory_space<vmem>>) target_semaphore(%run_scoped3A : memref<!tpu.dma_semaphore, #tpu.memory_space<semaphore_mem>>)
      %dma_wait3A = arith.constant 12800 : i32
      %dma_wait3A_96 = tpu.memref_slice %arg7[%dma_wait3A] : memref<19200xi32, #tpu.memory_space<vmem>> -> memref<6400xi32, #tpu.memory_space<vmem>>
      %dma_wait3A_97 = tpu.memref_slice %arg5[%mul3A_8] : memref<204800xi32, #tpu.memory_space<hbm>> -> memref<6400xi32, #tpu.memory_space<hbm>>
      %dma_wait3A_98 = arith.constant 12800 : i32
      %dma_wait3A_99 = tpu.memref_slice %arg7[%dma_wait3A_98] : memref<19200xi32, #tpu.memory_space<vmem>> -> memref<6400xi32, #tpu.memory_space<vmem>>
      %dma_wait3A_100 = tpu.memref_slice %arg5[%mul3A_8] : memref<204800xi32, #tpu.memory_space<hbm>> -> memref<6400xi32, #tpu.memory_space<hbm>>
      tpu.wait_dma2 semaphore(%run_scoped3A : memref<!tpu.dma_semaphore, #tpu.memory_space<semaphore_mem>>) src(%dma_wait3A_100 : memref<6400xi32, #tpu.memory_space<hbm>>) dst(%dma_wait3A_99 : memref<6400xi32, #tpu.memory_space<vmem>>)
      tpu.yield
    }) : () -> ()
    %scan3A = arith.constant 0 : i32
    %scan3A_9 = arith.constant 0 : i32
    %scan3A_10 = arith.constant 400 : i32
    %scan3A_11 = arith.addi %scan3A_9, %scan3A_10 : i32
    %scan3A_12 = arith.constant 1 : i32
    scf.for %scan3A_90 = %scan3A_9 to %scan3A_11 step %scan3A_12  : i32 {
      %mul3A_91 = arith.constant 16 : i32
      %mul3A_92 = arith.muli %scan3A_90, %mul3A_91 : i32
      %add3A_93 = arith.constant 6400 : i32
      %add3A_94 = arith.addi %add3A_93, %mul3A_92 : i32
      %get3A = arith.index_cast %add3A_94 : i32 to index
      %get3A_95 = tpu.vector_load %arg7[%get3A] {strides = array<i32>} : memref<19200xi32, #tpu.memory_space<vmem>>, vector<16xi32>,
      %get3A_96 = vector.shape_cast %get3A_95 : vector<16xi32> to vector<16xi32>
      %add3A_97 = arith.constant 32 : i32
      %add3A_98 = vector.broadcast %add3A_97 : i32 to vector<16xi32>
      %add3A_99 = arith.addi %get3A_96, %add3A_98 : vector<16xi32>
      %swap3A = arith.index_cast %add3A_94 : i32 to index
      %swap3A_100 = tpu.vector_load %arg7[%swap3A] {strides = array<i32>} : memref<19200xi32, #tpu.memory_space<vmem>>, vector<16xi32>,
      %swap3A_101 = vector.shape_cast %swap3A_100 : vector<16xi32> to vector<16xi32>
      %swap3A_102 = vector.shape_cast %add3A_99 : vector<16xi32> to vector<16xi32>
      tpu.vector_store %arg7[%swap3A], %swap3A_102 {strides = array<i32>} : memref<19200xi32, #tpu.memory_space<vmem>>, vector<16xi32>,
      %mul3A_103 = arith.constant 16 : i32
      %mul3A_104 = arith.muli %scan3A_90, %mul3A_103 : i32
      %add3A_105 = arith.constant 12800 : i32
      %add3A_106 = arith.addi %add3A_105, %mul3A_104 : i32
      %get3A_107 = arith.index_cast %add3A_106 : i32 to index
      %get3A_108 = tpu.vector_load %arg7[%get3A_107] {strides = array<i32>} : memref<19200xi32, #tpu.memory_space<vmem>>, vector<16xi32>,
      %get3A_109 = vector.shape_cast %get3A_108 : vector<16xi32> to vector<16xi32>
      %add3A_110 = arith.constant 64 : i32
      %add3A_111 = vector.broadcast %add3A_110 : i32 to vector<16xi32>
      %add3A_112 = arith.addi %get3A_109, %add3A_111 : vector<16xi32>
      %swap3A_113 = arith.index_cast %add3A_106 : i32 to index
      %swap3A_114 = tpu.vector_load %arg7[%swap3A_113] {strides = array<i32>} : memref<19200xi32, #tpu.memory_space<vmem>>, vector<16xi32>,
      %swap3A_115 = vector.shape_cast %swap3A_114 : vector<16xi32> to vector<16xi32>
      %swap3A_116 = vector.shape_cast %add3A_112 : vector<16xi32> to vector<16xi32>
      tpu.vector_store %arg7[%swap3A_113], %swap3A_116 {strides = array<i32>} : memref<19200xi32, #tpu.memory_space<vmem>>, vector<16xi32>,
    }
    %scan3A_13 = arith.constant 400 : i32
    %rem3A = arith.constant 0 : i32
    %rem3A_14 = arith.constant 4 : i32
    %rem3A_15 = arith.remsi %rem3A, %rem3A_14 : i32
    %dma_start3A = arith.constant 0 : i32
    %dma_start3A_16 = arith.constant 0 : i32
    %dma_start3A_17 = arith.constant 0 : i32
    %dma_start3A_18 = tpu.memref_slice %arg8[%rem3A_15, %dma_start3A, %dma_start3A_16, %dma_start3A_17] : memref<4x3x40x128xf32, #tpu.memory_space<vmem>> -> memref<1x1x40x128xf32, #tpu.memory_space<vmem>>
    %dma_start3A_19 = tpu.memref_squeeze %dma_start3A_18 : memref<1x1x40x128xf32, #tpu.memory_space<vmem>> -> memref<40x128xf32, #tpu.memory_space<vmem>>
    %dma_start3A_20 = arith.constant 0 : i32
    %dma_start3A_21 = tpu.memref_slice %arg7[%dma_start3A_20] : memref<19200xi32, #tpu.memory_space<vmem>> -> memref<40xi32, #tpu.memory_space<vmem>>
    %dma_start3A_22 = arith.constant 0 : i32
    %dma_start3A_23 = arith.constant 0 : i32
    %dma_start3A_24 = tpu.memref_slice %arg9[%dma_start3A_22, %dma_start3A_23] : memref<96x128xf32, #tpu.memory_space<vmem_shared>> -> memref<96x128xf32, #tpu.memory_space<vmem_shared>>
    tpu.enqueue_indirect_dma source(%dma_start3A_24 : memref<96x128xf32, #tpu.memory_space<vmem_shared>>) target(%dma_start3A_19 : memref<40x128xf32, #tpu.memory_space<vmem>>) offsets(%dma_start3A_21 : memref<40xi32, #tpu.memory_space<vmem>>) semaphore(%arg10 : memref<!tpu.dma_semaphore, #tpu.memory_space<semaphore_mem>>)
    %dma_start3A_25 = arith.constant 1 : i32
    %dma_start3A_26 = arith.constant 0 : i32
    %dma_start3A_27 = arith.constant 0 : i32
    %dma_start3A_28 = tpu.memref_slice %arg8[%rem3A_15, %dma_start3A_25, %dma_start3A_26, %dma_start3A_27] : memref<4x3x40x128xf32, #tpu.memory_space<vmem>> -> memref<1x1x40x128xf32, #tpu.memory_space<vmem>>
    %dma_start3A_29 = tpu.memref_squeeze %dma_start3A_28 : memref<1x1x40x128xf32, #tpu.memory_space<vmem>> -> memref<40x128xf32, #tpu.memory_space<vmem>>
    %dma_start3A_30 = arith.constant 6400 : i32
    %dma_start3A_31 = tpu.memref_slice %arg7[%dma_start3A_30] : memref<19200xi32, #tpu.memory_space<vmem>> -> memref<40xi32, #tpu.memory_space<vmem>>
    %dma_start3A_32 = arith.constant 0 : i32
    %dma_start3A_33 = arith.constant 0 : i32
    %dma_start3A_34 = tpu.memref_slice %arg9[%dma_start3A_32, %dma_start3A_33] : memref<96x128xf32, #tpu.memory_space<vmem_shared>> -> memref<96x128xf32, #tpu.memory_space<vmem_shared>>
    tpu.enqueue_indirect_dma source(%dma_start3A_34 : memref<96x128xf32, #tpu.memory_space<vmem_shared>>) target(%dma_start3A_29 : memref<40x128xf32, #tpu.memory_space<vmem>>) offsets(%dma_start3A_31 : memref<40xi32, #tpu.memory_space<vmem>>) semaphore(%arg10 : memref<!tpu.dma_semaphore, #tpu.memory_space<semaphore_mem>>)
    %dma_start3A_35 = arith.constant 2 : i32
    %dma_start3A_36 = arith.constant 0 : i32
    %dma_start3A_37 = arith.constant 0 : i32
    %dma_start3A_38 = tpu.memref_slice %arg8[%rem3A_15, %dma_start3A_35, %dma_start3A_36, %dma_start3A_37] : memref<4x3x40x128xf32, #tpu.memory_space<vmem>> -> memref<1x1x40x128xf32, #tpu.memory_space<vmem>>
    %dma_start3A_39 = tpu.memref_squeeze %dma_start3A_38 : memref<1x1x40x128xf32, #tpu.memory_space<vmem>> -> memref<40x128xf32, #tpu.memory_space<vmem>>
    %dma_start3A_40 = arith.constant 12800 : i32
    %dma_start3A_41 = tpu.memref_slice %arg7[%dma_start3A_40] : memref<19200xi32, #tpu.memory_space<vmem>> -> memref<40xi32, #tpu.memory_space<vmem>>
    %dma_start3A_42 = arith.constant 0 : i32
    %dma_start3A_43 = arith.constant 0 : i32
    %dma_start3A_44 = tpu.memref_slice %arg9[%dma_start3A_42, %dma_start3A_43] : memref<96x128xf32, #tpu.memory_space<vmem_shared>> -> memref<96x128xf32, #tpu.memory_space<vmem_shared>>
    tpu.enqueue_indirect_dma source(%dma_start3A_44 : memref<96x128xf32, #tpu.memory_space<vmem_shared>>) target(%dma_start3A_39 : memref<40x128xf32, #tpu.memory_space<vmem>>) offsets(%dma_start3A_41 : memref<40xi32, #tpu.memory_space<vmem>>) semaphore(%arg10 : memref<!tpu.dma_semaphore, #tpu.memory_space<semaphore_mem>>)
    %rem3A_45 = arith.constant 1 : i32
    %rem3A_46 = arith.constant 4 : i32
    %rem3A_47 = arith.remsi %rem3A_45, %rem3A_46 : i32
    %dma_start3A_48 = arith.constant 0 : i32
    %dma_start3A_49 = arith.constant 0 : i32
    %dma_start3A_50 = arith.constant 0 : i32
    %dma_start3A_51 = tpu.memref_slice %arg8[%rem3A_47, %dma_start3A_48, %dma_start3A_49, %dma_start3A_50] : memref<4x3x40x128xf32, #tpu.memory_space<vmem>> -> memref<1x1x40x128xf32, #tpu.memory_space<vmem>>
    %dma_start3A_52 = tpu.memref_squeeze %dma_start3A_51 : memref<1x1x40x128xf32, #tpu.memory_space<vmem>> -> memref<40x128xf32, #tpu.memory_space<vmem>>
    %dma_start3A_53 = arith.constant 40 : i32
    %dma_start3A_54 = tpu.memref_slice %arg7[%dma_start3A_53] : memref<19200xi32, #tpu.memory_space<vmem>> -> memref<40xi32, #tpu.memory_space<vmem>>
    %dma_start3A_55 = arith.constant 0 : i32
    %dma_start3A_56 = arith.constant 0 : i32
    %dma_start3A_57 = tpu.memref_slice %arg9[%dma_start3A_55, %dma_start3A_56] : memref<96x128xf32, #tpu.memory_space<vmem_shared>> -> memref<96x128xf32, #tpu.memory_space<vmem_shared>>
    tpu.enqueue_indirect_dma source(%dma_start3A_57 : memref<96x128xf32, #tpu.memory_space<vmem_shared>>) target(%dma_start3A_52 : memref<40x128xf32, #tpu.memory_space<vmem>>) offsets(%dma_start3A_54 : memref<40xi32, #tpu.memory_space<vmem>>) semaphore(%arg10 : memref<!tpu.dma_semaphore, #tpu.memory_space<semaphore_mem>>)
    %dma_start3A_58 = arith.constant 1 : i32
    %dma_start3A_59 = arith.constant 0 : i32
    %dma_start3A_60 = arith.constant 0 : i32
    %dma_start3A_61 = tpu.memref_slice %arg8[%rem3A_47, %dma_start3A_58, %dma_start3A_59, %dma_start3A_60] : memref<4x3x40x128xf32, #tpu.memory_space<vmem>> -> memref<1x1x40x128xf32, #tpu.memory_space<vmem>>
    %dma_start3A_62 = tpu.memref_squeeze %dma_start3A_61 : memref<1x1x40x128xf32, #tpu.memory_space<vmem>> -> memref<40x128xf32, #tpu.memory_space<vmem>>
    %dma_start3A_63 = arith.constant 6440 : i32
    %dma_start3A_64 = tpu.memref_slice %arg7[%dma_start3A_63] : memref<19200xi32, #tpu.memory_space<vmem>> -> memref<40xi32, #tpu.memory_space<vmem>>
    %dma_start3A_65 = arith.constant 0 : i32
    %dma_start3A_66 = arith.constant 0 : i32
    %dma_start3A_67 = tpu.memref_slice %arg9[%dma_start3A_65, %dma_start3A_66] : memref<96x128xf32, #tpu.memory_space<vmem_shared>> -> memref<96x128xf32, #tpu.memory_space<vmem_shared>>
    tpu.enqueue_indirect_dma source(%dma_start3A_67 : memref<96x128xf32, #tpu.memory_space<vmem_shared>>) target(%dma_start3A_62 : memref<40x128xf32, #tpu.memory_space<vmem>>) offsets(%dma_start3A_64 : memref<40xi32, #tpu.memory_space<vmem>>) semaphore(%arg10 : memref<!tpu.dma_semaphore, #tpu.memory_space<semaphore_mem>>)
    %dma_start3A_68 = arith.constant 2 : i32
    %dma_start3A_69 = arith.constant 0 : i32
    %dma_start3A_70 = arith.constant 0 : i32
    %dma_start3A_71 = tpu.memref_slice %arg8[%rem3A_47, %dma_start3A_68, %dma_start3A_69, %dma_start3A_70] : memref<4x3x40x128xf32, #tpu.memory_space<vmem>> -> memref<1x1x40x128xf32, #tpu.memory_space<vmem>>
    %dma_start3A_72 = tpu.memref_squeeze %dma_start3A_71 : memref<1x1x40x128xf32, #tpu.memory_space<vmem>> -> memref<40x128xf32, #tpu.memory_space<vmem>>
    %dma_start3A_73 = arith.constant 12840 : i32
    %dma_start3A_74 = tpu.memref_slice %arg7[%dma_start3A_73] : memref<19200xi32, #tpu.memory_space<vmem>> -> memref<40xi32, #tpu.memory_space<vmem>>
    %dma_start3A_75 = arith.constant 0 : i32
    %dma_start3A_76 = arith.constant 0 : i32
    %dma_start3A_77 = tpu.memref_slice %arg9[%dma_start3A_75, %dma_start3A_76] : memref<96x128xf32, #tpu.memory_space<vmem_shared>> -> memref<96x128xf32, #tpu.memory_space<vmem_shared>>
    tpu.enqueue_indirect_dma source(%dma_start3A_77 : memref<96x128xf32, #tpu.memory_space<vmem_shared>>) target(%dma_start3A_72 : memref<40x128xf32, #tpu.memory_space<vmem>>) offsets(%dma_start3A_74 : memref<40xi32, #tpu.memory_space<vmem>>) semaphore(%arg10 : memref<!tpu.dma_semaphore, #tpu.memory_space<semaphore_mem>>)
    %scan3A_78 = arith.constant 0 : i32
    %scan3A_79 = arith.constant 0 : i32
    %scan3A_80 = arith.constant 160 : i32
    %scan3A_81 = arith.addi %scan3A_79, %scan3A_80 : i32
    %scan3A_82 = arith.constant 1 : i32
    scf.for %scan3A_90 = %scan3A_79 to %scan3A_81 step %scan3A_82  : i32 {
      %rem3A_91 = arith.constant 4 : i32
      %rem3A_92 = arith.remsi %scan3A_90, %rem3A_91 : i32
      %mul3A_93 = arith.constant 40 : i32
      %mul3A_94 = arith.muli %scan3A_90, %mul3A_93 : i32
      %add3A_95 = arith.constant 0 : i32
      %add3A_96 = arith.addi %add3A_95, %mul3A_94 : i32
      %dma_wait3A = arith.constant 0 : i32
      %dma_wait3A_97 = arith.constant 0 : i32
      %dma_wait3A_98 = arith.constant 0 : i32
      %dma_wait3A_99 = tpu.memref_slice %arg8[%rem3A_92, %dma_wait3A, %dma_wait3A_97, %dma_wait3A_98] : memref<4x3x40x128xf32, #tpu.memory_space<vmem>> -> memref<1x1x40x128xf32, #tpu.memory_space<vmem>>
      %dma_wait3A_100 = tpu.memref_squeeze %dma_wait3A_99 : memref<1x1x40x128xf32, #tpu.memory_space<vmem>> -> memref<40x128xf32, #tpu.memory_space<vmem>>
      %dma_wait3A_101 = tpu.memref_slice %arg7[%add3A_96] : memref<19200xi32, #tpu.memory_space<vmem>> -> memref<40xi32, #tpu.memory_space<vmem>>
      %dma_wait3A_102 = arith.constant 0 : i32
      %dma_wait3A_103 = arith.constant 0 : i32
      %dma_wait3A_104 = tpu.memref_slice %arg9[%dma_wait3A_102, %dma_wait3A_103] : memref<96x128xf32, #tpu.memory_space<vmem_shared>> -> memref<96x128xf32, #tpu.memory_space<vmem_shared>>
      tpu.wait_indirect_dma semaphore(%arg10 : memref<!tpu.dma_semaphore, #tpu.memory_space<semaphore_mem>>) src(%dma_wait3A_104 : memref<96x128xf32, #tpu.memory_space<vmem_shared>>) dst(%dma_wait3A_100 : memref<40x128xf32, #tpu.memory_space<vmem>>)
      %mul3A_105 = arith.constant 40 : i32
      %mul3A_106 = arith.muli %scan3A_90, %mul3A_105 : i32
      %add3A_107 = arith.constant 6400 : i32
      %add3A_108 = arith.addi %add3A_107, %mul3A_106 : i32
      %dma_wait3A_109 = arith.constant 1 : i32
      %dma_wait3A_110 = arith.constant 0 : i32
      %dma_wait3A_111 = arith.constant 0 : i32
      %dma_wait3A_112 = tpu.memref_slice %arg8[%rem3A_92, %dma_wait3A_109, %dma_wait3A_110, %dma_wait3A_111] : memref<4x3x40x128xf32, #tpu.memory_space<vmem>> -> memref<1x1x40x128xf32, #tpu.memory_space<vmem>>
      %dma_wait3A_113 = tpu.memref_squeeze %dma_wait3A_112 : memref<1x1x40x128xf32, #tpu.memory_space<vmem>> -> memref<40x128xf32, #tpu.memory_space<vmem>>
      %dma_wait3A_114 = tpu.memref_slice %arg7[%add3A_108] : memref<19200xi32, #tpu.memory_space<vmem>> -> memref<40xi32, #tpu.memory_space<vmem>>
      %dma_wait3A_115 = arith.constant 0 : i32
      %dma_wait3A_116 = arith.constant 0 : i32
      %dma_wait3A_117 = tpu.memref_slice %arg9[%dma_wait3A_115, %dma_wait3A_116] : memref<96x128xf32, #tpu.memory_space<vmem_shared>> -> memref<96x128xf32, #tpu.memory_space<vmem_shared>>
      tpu.wait_indirect_dma semaphore(%arg10 : memref<!tpu.dma_semaphore, #tpu.memory_space<semaphore_mem>>) src(%dma_wait3A_117 : memref<96x128xf32, #tpu.memory_space<vmem_shared>>) dst(%dma_wait3A_113 : memref<40x128xf32, #tpu.memory_space<vmem>>)
      %mul3A_118 = arith.constant 40 : i32
      %mul3A_119 = arith.muli %scan3A_90, %mul3A_118 : i32
      %add3A_120 = arith.constant 12800 : i32
      %add3A_121 = arith.addi %add3A_120, %mul3A_119 : i32
      %dma_wait3A_122 = arith.constant 2 : i32
      %dma_wait3A_123 = arith.constant 0 : i32
      %dma_wait3A_124 = arith.constant 0 : i32
      %dma_wait3A_125 = tpu.memref_slice %arg8[%rem3A_92, %dma_wait3A_122, %dma_wait3A_123, %dma_wait3A_124] : memref<4x3x40x128xf32, #tpu.memory_space<vmem>> -> memref<1x1x40x128xf32, #tpu.memory_space<vmem>>
      %dma_wait3A_126 = tpu.memref_squeeze %dma_wait3A_125 : memref<1x1x40x128xf32, #tpu.memory_space<vmem>> -> memref<40x128xf32, #tpu.memory_space<vmem>>
      %dma_wait3A_127 = tpu.memref_slice %arg7[%add3A_121] : memref<19200xi32, #tpu.memory_space<vmem>> -> memref<40xi32, #tpu.memory_space<vmem>>
      %dma_wait3A_128 = arith.constant 0 : i32
      %dma_wait3A_129 = arith.constant 0 : i32
      %dma_wait3A_130 = tpu.memref_slice %arg9[%dma_wait3A_128, %dma_wait3A_129] : memref<96x128xf32, #tpu.memory_space<vmem_shared>> -> memref<96x128xf32, #tpu.memory_space<vmem_shared>>
      tpu.wait_indirect_dma semaphore(%arg10 : memref<!tpu.dma_semaphore, #tpu.memory_space<semaphore_mem>>) src(%dma_wait3A_130 : memref<96x128xf32, #tpu.memory_space<vmem_shared>>) dst(%dma_wait3A_126 : memref<40x128xf32, #tpu.memory_space<vmem>>)
      %rem3A_131 = arith.constant 4 : i32
      %rem3A_132 = arith.remsi %scan3A_90, %rem3A_131 : i32
      %mul3A_133 = arith.constant 160 : i32
      %mul3A_134 = arith.muli %add3A, %mul3A_133 : i32
      %add3A_135 = arith.addi %mul3A_134, %scan3A_90 : i32
      %jit3A = arith.constant 5 : i32
      %div3A = arith.divsi %add3A_135, %jit3A : i32
      %sign3A = arith.constant 0 : i32
      %sign3A_136 = arith.cmpi sgt, %add3A_135, %sign3A : i32
      %sign3A_137 = arith.extui %sign3A_136 : i1 to i32
      %sign3A_138 = arith.constant 0 : i32
      %sign3A_139 = arith.cmpi slt, %add3A_135, %sign3A_138 : i32
      %sign3A_140 = arith.extui %sign3A_139 : i1 to i32
      %sign3A_141 = arith.subi %sign3A_137, %sign3A_140 : i32
      %sign3A_142 = arith.constant 0 : i32
      %sign3A_143 = arith.cmpi sgt, %jit3A, %sign3A_142 : i32
      %sign3A_144 = arith.extui %sign3A_143 : i1 to i32
      %sign3A_145 = arith.constant 0 : i32
      %sign3A_146 = arith.cmpi slt, %jit3A, %sign3A_145 : i32
      %sign3A_147 = arith.extui %sign3A_146 : i1 to i32
      %sign3A_148 = arith.subi %sign3A_144, %sign3A_147 : i32
      %ne3A = arith.cmpi ne, %sign3A_141, %sign3A_148 : i32
      %rem3A_149 = arith.remsi %add3A_135, %jit3A : i32
      %ne3A_150 = arith.constant 0 : i32
      %ne3A_151 = arith.cmpi ne, %rem3A_149, %ne3A_150 : i32
      %and3A = arith.andi %ne3A, %ne3A_151 : i1
      %sub3A = arith.constant 1 : i32
      %sub3A_152 = arith.subi %div3A, %sub3A : i32
      %select_n3A = arith.select %and3A, %sub3A_152, %div3A : i32
      %rem3A_153 = arith.constant 5 : i32
      %rem3A_154 = arith.remsi %add3A_135, %rem3A_153 : i32
      %mul3A_155 = arith.constant 40 : i32
      %mul3A_156 = arith.muli %rem3A_154, %mul3A_155 : i32
      %dma_start3A_157 = arith.constant 0 : i32
      %dma_start3A_158 = arith.constant 0 : i32
      %dma_start3A_159 = arith.constant 0 : i32
      %dma_start3A_160 = tpu.memref_slice %arg8[%rem3A_132, %dma_start3A_157, %dma_start3A_158, %dma_start3A_159] : memref<4x3x40x128xf32, #tpu.memory_space<vmem>> -> memref<1x1x40x128xf32, #tpu.memory_space<vmem>>
      %dma_start3A_161 = tpu.memref_squeeze %dma_start3A_160 : memref<1x1x40x128xf32, #tpu.memory_space<vmem>> -> memref<40x128xf32, #tpu.memory_space<vmem>>
      %dma_start3A_162 = arith.constant 0 : i32
      %dma_start3A_163 = tpu.memref_slice %arg6[%select_n3A, %mul3A_156, %dma_start3A_162] : memref<1024x200x384xf32, #tpu.memory_space<hbm>> -> memref<1x40x128xf32, #tpu.memory_space<hbm>>
      %dma_start3A_164 = tpu.memref_squeeze %dma_start3A_163 : memref<1x40x128xf32, #tpu.memory_space<hbm>> -> memref<40x128xf32, #tpu.memory_space<hbm>>
      %dma_start3A_165 = arith.constant 0 : i32
      %dma_start3A_166 = tpu.memref_slice %arg6[%select_n3A, %mul3A_156, %dma_start3A_165] : memref<1024x200x384xf32, #tpu.memory_space<hbm>> -> memref<1x40x128xf32, #tpu.memory_space<hbm>>
      %dma_start3A_167 = tpu.memref_squeeze %dma_start3A_166 : memref<1x40x128xf32, #tpu.memory_space<hbm>> -> memref<40x128xf32, #tpu.memory_space<hbm>>
      %dma_start3A_168 = arith.constant 0 : i32
      %dma_start3A_169 = arith.constant 0 : i32
      %dma_start3A_170 = tpu.memref_slice %arg8[%rem3A_132, %dma_start3A_157, %dma_start3A_168, %dma_start3A_169] : memref<4x3x40x128xf32, #tpu.memory_space<vmem>> -> memref<1x1x40x128xf32, #tpu.memory_space<vmem>>
      %dma_start3A_171 = tpu.memref_squeeze %dma_start3A_170 : memref<1x1x40x128xf32, #tpu.memory_space<vmem>> -> memref<40x128xf32, #tpu.memory_space<vmem>>
      tpu.enqueue_dma source(%dma_start3A_171 : memref<40x128xf32, #tpu.memory_space<vmem>>) target(%dma_start3A_167 : memref<40x128xf32, #tpu.memory_space<hbm>>) target_semaphore(%arg11 : memref<!tpu.dma_semaphore, #tpu.memory_space<semaphore_mem>>)
      %mul3A_172 = arith.constant 160 : i32
      %mul3A_173 = arith.muli %add3A, %mul3A_172 : i32
      %add3A_174 = arith.addi %mul3A_173, %scan3A_90 : i32
      %jit3A_175 = arith.constant 5 : i32
      %div3A_176 = arith.divsi %add3A_174, %jit3A_175 : i32
      %sign3A_177 = arith.constant 0 : i32
      %sign3A_178 = arith.cmpi sgt, %add3A_174, %sign3A_177 : i32
      %sign3A_179 = arith.extui %sign3A_178 : i1 to i32
      %sign3A_180 = arith.constant 0 : i32
      %sign3A_181 = arith.cmpi slt, %add3A_174, %sign3A_180 : i32
      %sign3A_182 = arith.extui %sign3A_181 : i1 to i32
      %sign3A_183 = arith.subi %sign3A_179, %sign3A_182 : i32
      %sign3A_184 = arith.constant 0 : i32
      %sign3A_185 = arith.cmpi sgt, %jit3A_175, %sign3A_184 : i32
      %sign3A_186 = arith.extui %sign3A_185 : i1 to i32
      %sign3A_187 = arith.constant 0 : i32
      %sign3A_188 = arith.cmpi slt, %jit3A_175, %sign3A_187 : i32
      %sign3A_189 = arith.extui %sign3A_188 : i1 to i32
      %sign3A_190 = arith.subi %sign3A_186, %sign3A_189 : i32
      %ne3A_191 = arith.cmpi ne, %sign3A_183, %sign3A_190 : i32
      %rem3A_192 = arith.remsi %add3A_174, %jit3A_175 : i32
      %ne3A_193 = arith.constant 0 : i32
      %ne3A_194 = arith.cmpi ne, %rem3A_192, %ne3A_193 : i32
      %and3A_195 = arith.andi %ne3A_191, %ne3A_194 : i1
      %sub3A_196 = arith.constant 1 : i32
      %sub3A_197 = arith.subi %div3A_176, %sub3A_196 : i32
      %select_n3A_198 = arith.select %and3A_195, %sub3A_197, %div3A_176 : i32
      %rem3A_199 = arith.constant 5 : i32
      %rem3A_200 = arith.remsi %add3A_174, %rem3A_199 : i32
      %mul3A_201 = arith.constant 40 : i32
      %mul3A_202 = arith.muli %rem3A_200, %mul3A_201 : i32
      %dma_start3A_203 = arith.constant 1 : i32
      %dma_start3A_204 = arith.constant 0 : i32
      %dma_start3A_205 = arith.constant 0 : i32
      %dma_start3A_206 = tpu.memref_slice %arg8[%rem3A_132, %dma_start3A_203, %dma_start3A_204, %dma_start3A_205] : memref<4x3x40x128xf32, #tpu.memory_space<vmem>> -> memref<1x1x40x128xf32, #tpu.memory_space<vmem>>
      %dma_start3A_207 = tpu.memref_squeeze %dma_start3A_206 : memref<1x1x40x128xf32, #tpu.memory_space<vmem>> -> memref<40x128xf32, #tpu.memory_space<vmem>>
      %dma_start3A_208 = arith.constant 128 : i32
      %dma_start3A_209 = tpu.memref_slice %arg6[%select_n3A_198, %mul3A_202, %dma_start3A_208] : memref<1024x200x384xf32, #tpu.memory_space<hbm>> -> memref<1x40x128xf32, #tpu.memory_space<hbm>>
      %dma_start3A_210 = tpu.memref_squeeze %dma_start3A_209 : memref<1x40x128xf32, #tpu.memory_space<hbm>> -> memref<40x128xf32, #tpu.memory_space<hbm>>
      %dma_start3A_211 = arith.constant 128 : i32
      %dma_start3A_212 = tpu.memref_slice %arg6[%select_n3A_198, %mul3A_202, %dma_start3A_211] : memref<1024x200x384xf32, #tpu.memory_space<hbm>> -> memref<1x40x128xf32, #tpu.memory_space<hbm>>
      %dma_start3A_213 = tpu.memref_squeeze %dma_start3A_212 : memref<1x40x128xf32, #tpu.memory_space<hbm>> -> memref<40x128xf32, #tpu.memory_space<hbm>>
      %dma_start3A_214 = arith.constant 0 : i32
      %dma_start3A_215 = arith.constant 0 : i32
      %dma_start3A_216 = tpu.memref_slice %arg8[%rem3A_132, %dma_start3A_203, %dma_start3A_214, %dma_start3A_215] : memref<4x3x40x128xf32, #tpu.memory_space<vmem>> -> memref<1x1x40x128xf32, #tpu.memory_space<vmem>>
      %dma_start3A_217 = tpu.memref_squeeze %dma_start3A_216 : memref<1x1x40x128xf32, #tpu.memory_space<vmem>> -> memref<40x128xf32, #tpu.memory_space<vmem>>
      tpu.enqueue_dma source(%dma_start3A_217 : memref<40x128xf32, #tpu.memory_space<vmem>>) target(%dma_start3A_213 : memref<40x128xf32, #tpu.memory_space<hbm>>) target_semaphore(%arg11 : memref<!tpu.dma_semaphore, #tpu.memory_space<semaphore_mem>>)
      %mul3A_218 = arith.constant 160 : i32
      %mul3A_219 = arith.muli %add3A, %mul3A_218 : i32
      %add3A_220 = arith.addi %mul3A_219, %scan3A_90 : i32
      %jit3A_221 = arith.constant 5 : i32
      %div3A_222 = arith.divsi %add3A_220, %jit3A_221 : i32
      %sign3A_223 = arith.constant 0 : i32
      %sign3A_224 = arith.cmpi sgt, %add3A_220, %sign3A_223 : i32
      %sign3A_225 = arith.extui %sign3A_224 : i1 to i32
      %sign3A_226 = arith.constant 0 : i32
      %sign3A_227 = arith.cmpi slt, %add3A_220, %sign3A_226 : i32
      %sign3A_228 = arith.extui %sign3A_227 : i1 to i32
      %sign3A_229 = arith.subi %sign3A_225, %sign3A_228 : i32
      %sign3A_230 = arith.constant 0 : i32
      %sign3A_231 = arith.cmpi sgt, %jit3A_221, %sign3A_230 : i32
      %sign3A_232 = arith.extui %sign3A_231 : i1 to i32
      %sign3A_233 = arith.constant 0 : i32
      %sign3A_234 = arith.cmpi slt, %jit3A_221, %sign3A_233 : i32
      %sign3A_235 = arith.extui %sign3A_234 : i1 to i32
      %sign3A_236 = arith.subi %sign3A_232, %sign3A_235 : i32
      %ne3A_237 = arith.cmpi ne, %sign3A_229, %sign3A_236 : i32
      %rem3A_238 = arith.remsi %add3A_220, %jit3A_221 : i32
      %ne3A_239 = arith.constant 0 : i32
      %ne3A_240 = arith.cmpi ne, %rem3A_238, %ne3A_239 : i32
      %and3A_241 = arith.andi %ne3A_237, %ne3A_240 : i1
      %sub3A_242 = arith.constant 1 : i32
      %sub3A_243 = arith.subi %div3A_222, %sub3A_242 : i32
      %select_n3A_244 = arith.select %and3A_241, %sub3A_243, %div3A_222 : i32
      %rem3A_245 = arith.constant 5 : i32
      %rem3A_246 = arith.remsi %add3A_220, %rem3A_245 : i32
      %mul3A_247 = arith.constant 40 : i32
      %mul3A_248 = arith.muli %rem3A_246, %mul3A_247 : i32
      %dma_start3A_249 = arith.constant 2 : i32
      %dma_start3A_250 = arith.constant 0 : i32
      %dma_start3A_251 = arith.constant 0 : i32
      %dma_start3A_252 = tpu.memref_slice %arg8[%rem3A_132, %dma_start3A_249, %dma_start3A_250, %dma_start3A_251] : memref<4x3x40x128xf32, #tpu.memory_space<vmem>> -> memref<1x1x40x128xf32, #tpu.memory_space<vmem>>
      %dma_start3A_253 = tpu.memref_squeeze %dma_start3A_252 : memref<1x1x40x128xf32, #tpu.memory_space<vmem>> -> memref<40x128xf32, #tpu.memory_space<vmem>>
      %dma_start3A_254 = arith.constant 256 : i32
      %dma_start3A_255 = tpu.memref_slice %arg6[%select_n3A_244, %mul3A_248, %dma_start3A_254] : memref<1024x200x384xf32, #tpu.memory_space<hbm>> -> memref<1x40x128xf32, #tpu.memory_space<hbm>>
      %dma_start3A_256 = tpu.memref_squeeze %dma_start3A_255 : memref<1x40x128xf32, #tpu.memory_space<hbm>> -> memref<40x128xf32, #tpu.memory_space<hbm>>
      %dma_start3A_257 = arith.constant 256 : i32
      %dma_start3A_258 = tpu.memref_slice %arg6[%select_n3A_244, %mul3A_248, %dma_start3A_257] : memref<1024x200x384xf32, #tpu.memory_space<hbm>> -> memref<1x40x128xf32, #tpu.memory_space<hbm>>
      %dma_start3A_259 = tpu.memref_squeeze %dma_start3A_258 : memref<1x40x128xf32, #tpu.memory_space<hbm>> -> memref<40x128xf32, #tpu.memory_space<hbm>>
      %dma_start3A_260 = arith.constant 0 : i32
      %dma_start3A_261 = arith.constant 0 : i32
      %dma_start3A_262 = tpu.memref_slice %arg8[%rem3A_132, %dma_start3A_249, %dma_start3A_260, %dma_start3A_261] : memref<4x3x40x128xf32, #tpu.memory_space<vmem>> -> memref<1x1x40x128xf32, #tpu.memory_space<vmem>>
      %dma_start3A_263 = tpu.memref_squeeze %dma_start3A_262 : memref<1x1x40x128xf32, #tpu.memory_space<vmem>> -> memref<40x128xf32, #tpu.memory_space<vmem>>
      tpu.enqueue_dma source(%dma_start3A_263 : memref<40x128xf32, #tpu.memory_space<vmem>>) target(%dma_start3A_259 : memref<40x128xf32, #tpu.memory_space<hbm>>) target_semaphore(%arg11 : memref<!tpu.dma_semaphore, #tpu.memory_space<semaphore_mem>>)
      %ge3A = arith.constant 2 : i32
      %ge3A_264 = arith.cmpi sge, %scan3A_90, %ge3A : i32
      %convert_element_type3A_265 = arith.extui %ge3A_264 : i1 to i32
      %cond3A_266 = arith.constant 0 : i32
      %cond3A_267 = arith.cmpi ne, %convert_element_type3A_265, %cond3A_266 : i32
      scf.if %cond3A_267 {
        %sub3A_274 = arith.constant 2 : i32
        %sub3A_275 = arith.subi %scan3A_90, %sub3A_274 : i32
        %rem3A_276 = arith.constant 4 : i32
        %rem3A_277 = arith.remsi %sub3A_275, %rem3A_276 : i32
        %mul3A_278 = arith.constant 160 : i32
        %mul3A_279 = arith.muli %add3A, %mul3A_278 : i32
        %add3A_280 = arith.addi %mul3A_279, %sub3A_275 : i32
        %jit3A_281 = arith.constant 5 : i32
        %div3A_282 = arith.divsi %add3A_280, %jit3A_281 : i32
        %sign3A_283 = arith.constant 0 : i32
        %sign3A_284 = arith.cmpi sgt, %add3A_280, %sign3A_283 : i32
        %sign3A_285 = arith.extui %sign3A_284 : i1 to i32
        %sign3A_286 = arith.constant 0 : i32
        %sign3A_287 = arith.cmpi slt, %add3A_280, %sign3A_286 : i32
        %sign3A_288 = arith.extui %sign3A_287 : i1 to i32
        %sign3A_289 = arith.subi %sign3A_285, %sign3A_288 : i32
        %sign3A_290 = arith.constant 0 : i32
        %sign3A_291 = arith.cmpi sgt, %jit3A_281, %sign3A_290 : i32
        %sign3A_292 = arith.extui %sign3A_291 : i1 to i32
        %sign3A_293 = arith.constant 0 : i32
        %sign3A_294 = arith.cmpi slt, %jit3A_281, %sign3A_293 : i32
        %sign3A_295 = arith.extui %sign3A_294 : i1 to i32
        %sign3A_296 = arith.subi %sign3A_292, %sign3A_295 : i32
        %ne3A_297 = arith.cmpi ne, %sign3A_289, %sign3A_296 : i32
        %rem3A_298 = arith.remsi %add3A_280, %jit3A_281 : i32
        %ne3A_299 = arith.constant 0 : i32
        %ne3A_300 = arith.cmpi ne, %rem3A_298, %ne3A_299 : i32
        %and3A_301 = arith.andi %ne3A_297, %ne3A_300 : i1
        %sub3A_302 = arith.constant 1 : i32
        %sub3A_303 = arith.subi %div3A_282, %sub3A_302 : i32
        %select_n3A_304 = arith.select %and3A_301, %sub3A_303, %div3A_282 : i32
        %rem3A_305 = arith.constant 5 : i32
        %rem3A_306 = arith.remsi %add3A_280, %rem3A_305 : i32
        %mul3A_307 = arith.constant 40 : i32
        %mul3A_308 = arith.muli %rem3A_306, %mul3A_307 : i32
        %dma_wait3A_309 = arith.constant 0 : i32
        %dma_wait3A_310 = arith.constant 0 : i32
        %dma_wait3A_311 = arith.constant 0 : i32
        %dma_wait3A_312 = tpu.memref_slice %arg8[%rem3A_277, %dma_wait3A_309, %dma_wait3A_310, %dma_wait3A_311] : memref<4x3x40x128xf32, #tpu.memory_space<vmem>> -> memref<1x1x40x128xf32, #tpu.memory_space<vmem>>
        %dma_wait3A_313 = tpu.memref_squeeze %dma_wait3A_312 : memref<1x1x40x128xf32, #tpu.memory_space<vmem>> -> memref<40x128xf32, #tpu.memory_space<vmem>>
        %dma_wait3A_314 = arith.constant 0 : i32
        %dma_wait3A_315 = tpu.memref_slice %arg6[%select_n3A_304, %mul3A_308, %dma_wait3A_314] : memref<1024x200x384xf32, #tpu.memory_space<hbm>> -> memref<1x40x128xf32, #tpu.memory_space<hbm>>
        %dma_wait3A_316 = tpu.memref_squeeze %dma_wait3A_315 : memref<1x40x128xf32, #tpu.memory_space<hbm>> -> memref<40x128xf32, #tpu.memory_space<hbm>>
        %dma_wait3A_317 = arith.constant 0 : i32
        %dma_wait3A_318 = tpu.memref_slice %arg6[%select_n3A_304, %mul3A_308, %dma_wait3A_317] : memref<1024x200x384xf32, #tpu.memory_space<hbm>> -> memref<1x40x128xf32, #tpu.memory_space<hbm>>
        %dma_wait3A_319 = tpu.memref_squeeze %dma_wait3A_318 : memref<1x40x128xf32, #tpu.memory_space<hbm>> -> memref<40x128xf32, #tpu.memory_space<hbm>>
        %dma_wait3A_320 = arith.constant 0 : i32
        %dma_wait3A_321 = arith.constant 0 : i32
        %dma_wait3A_322 = tpu.memref_slice %arg8[%rem3A_277, %dma_wait3A_309, %dma_wait3A_320, %dma_wait3A_321] : memref<4x3x40x128xf32, #tpu.memory_space<vmem>> -> memref<1x1x40x128xf32, #tpu.memory_space<vmem>>
        %dma_wait3A_323 = tpu.memref_squeeze %dma_wait3A_322 : memref<1x1x40x128xf32, #tpu.memory_space<vmem>> -> memref<40x128xf32, #tpu.memory_space<vmem>>
        tpu.wait_dma2 semaphore(%arg11 : memref<!tpu.dma_semaphore, #tpu.memory_space<semaphore_mem>>) src(%dma_wait3A_323 : memref<40x128xf32, #tpu.memory_space<vmem>>) dst(%dma_wait3A_319 : memref<40x128xf32, #tpu.memory_space<hbm>>)
        %mul3A_324 = arith.constant 160 : i32
        %mul3A_325 = arith.muli %add3A, %mul3A_324 : i32
        %add3A_326 = arith.addi %mul3A_325, %sub3A_275 : i32
        %jit3A_327 = arith.constant 5 : i32
        %div3A_328 = arith.divsi %add3A_326, %jit3A_327 : i32
        %sign3A_329 = arith.constant 0 : i32
        %sign3A_330 = arith.cmpi sgt, %add3A_326, %sign3A_329 : i32
        %sign3A_331 = arith.extui %sign3A_330 : i1 to i32
        %sign3A_332 = arith.constant 0 : i32
        %sign3A_333 = arith.cmpi slt, %add3A_326, %sign3A_332 : i32
        %sign3A_334 = arith.extui %sign3A_333 : i1 to i32
        %sign3A_335 = arith.subi %sign3A_331, %sign3A_334 : i32
        %sign3A_336 = arith.constant 0 : i32
        %sign3A_337 = arith.cmpi sgt, %jit3A_327, %sign3A_336 : i32
        %sign3A_338 = arith.extui %sign3A_337 : i1 to i32
        %sign3A_339 = arith.constant 0 : i32
        %sign3A_340 = arith.cmpi slt, %jit3A_327, %sign3A_339 : i32
        %sign3A_341 = arith.extui %sign3A_340 : i1 to i32
        %sign3A_342 = arith.subi %sign3A_338, %sign3A_341 : i32
        %ne3A_343 = arith.cmpi ne, %sign3A_335, %sign3A_342 : i32
        %rem3A_344 = arith.remsi %add3A_326, %jit3A_327 : i32
        %ne3A_345 = arith.constant 0 : i32
        %ne3A_346 = arith.cmpi ne, %rem3A_344, %ne3A_345 : i32
        %and3A_347 = arith.andi %ne3A_343, %ne3A_346 : i1
        %sub3A_348 = arith.constant 1 : i32
        %sub3A_349 = arith.subi %div3A_328, %sub3A_348 : i32
        %select_n3A_350 = arith.select %and3A_347, %sub3A_349, %div3A_328 : i32
        %rem3A_351 = arith.constant 5 : i32
        %rem3A_352 = arith.remsi %add3A_326, %rem3A_351 : i32
        %mul3A_353 = arith.constant 40 : i32
        %mul3A_354 = arith.muli %rem3A_352, %mul3A_353 : i32
        %dma_wait3A_355 = arith.constant 1 : i32
        %dma_wait3A_356 = arith.constant 0 : i32
        %dma_wait3A_357 = arith.constant 0 : i32
        %dma_wait3A_358 = tpu.memref_slice %arg8[%rem3A_277, %dma_wait3A_355, %dma_wait3A_356, %dma_wait3A_357] : memref<4x3x40x128xf32, #tpu.memory_space<vmem>> -> memref<1x1x40x128xf32, #tpu.memory_space<vmem>>
        %dma_wait3A_359 = tpu.memref_squeeze %dma_wait3A_358 : memref<1x1x40x128xf32, #tpu.memory_space<vmem>> -> memref<40x128xf32, #tpu.memory_space<vmem>>
        %dma_wait3A_360 = arith.constant 128 : i32
        %dma_wait3A_361 = tpu.memref_slice %arg6[%select_n3A_350, %mul3A_354, %dma_wait3A_360] : memref<1024x200x384xf32, #tpu.memory_space<hbm>> -> memref<1x40x128xf32, #tpu.memory_space<hbm>>
        %dma_wait3A_362 = tpu.memref_squeeze %dma_wait3A_361 : memref<1x40x128xf32, #tpu.memory_space<hbm>> -> memref<40x128xf32, #tpu.memory_space<hbm>>
        %dma_wait3A_363 = arith.constant 128 : i32
        %dma_wait3A_364 = tpu.memref_slice %arg6[%select_n3A_350, %mul3A_354, %dma_wait3A_363] : memref<1024x200x384xf32, #tpu.memory_space<hbm>> -> memref<1x40x128xf32, #tpu.memory_space<hbm>>
        %dma_wait3A_365 = tpu.memref_squeeze %dma_wait3A_364 : memref<1x40x128xf32, #tpu.memory_space<hbm>> -> memref<40x128xf32, #tpu.memory_space<hbm>>
        %dma_wait3A_366 = arith.constant 0 : i32
        %dma_wait3A_367 = arith.constant 0 : i32
        %dma_wait3A_368 = tpu.memref_slice %arg8[%rem3A_277, %dma_wait3A_355, %dma_wait3A_366, %dma_wait3A_367] : memref<4x3x40x128xf32, #tpu.memory_space<vmem>> -> memref<1x1x40x128xf32, #tpu.memory_space<vmem>>
        %dma_wait3A_369 = tpu.memref_squeeze %dma_wait3A_368 : memref<1x1x40x128xf32, #tpu.memory_space<vmem>> -> memref<40x128xf32, #tpu.memory_space<vmem>>
        tpu.wait_dma2 semaphore(%arg11 : memref<!tpu.dma_semaphore, #tpu.memory_space<semaphore_mem>>) src(%dma_wait3A_369 : memref<40x128xf32, #tpu.memory_space<vmem>>) dst(%dma_wait3A_365 : memref<40x128xf32, #tpu.memory_space<hbm>>)
        %mul3A_370 = arith.constant 160 : i32
        %mul3A_371 = arith.muli %add3A, %mul3A_370 : i32
        %add3A_372 = arith.addi %mul3A_371, %sub3A_275 : i32
        %jit3A_373 = arith.constant 5 : i32
        %div3A_374 = arith.divsi %add3A_372, %jit3A_373 : i32
        %sign3A_375 = arith.constant 0 : i32
        %sign3A_376 = arith.cmpi sgt, %add3A_372, %sign3A_375 : i32
        %sign3A_377 = arith.extui %sign3A_376 : i1 to i32
        %sign3A_378 = arith.constant 0 : i32
        %sign3A_379 = arith.cmpi slt, %add3A_372, %sign3A_378 : i32
        %sign3A_380 = arith.extui %sign3A_379 : i1 to i32
        %sign3A_381 = arith.subi %sign3A_377, %sign3A_380 : i32
        %sign3A_382 = arith.constant 0 : i32
        %sign3A_383 = arith.cmpi sgt, %jit3A_373, %sign3A_382 : i32
        %sign3A_384 = arith.extui %sign3A_383 : i1 to i32
        %sign3A_385 = arith.constant 0 : i32
        %sign3A_386 = arith.cmpi slt, %jit3A_373, %sign3A_385 : i32
        %sign3A_387 = arith.extui %sign3A_386 : i1 to i32
        %sign3A_388 = arith.subi %sign3A_384, %sign3A_387 : i32
        %ne3A_389 = arith.cmpi ne, %sign3A_381, %sign3A_388 : i32
        %rem3A_390 = arith.remsi %add3A_372, %jit3A_373 : i32
        %ne3A_391 = arith.constant 0 : i32
        %ne3A_392 = arith.cmpi ne, %rem3A_390, %ne3A_391 : i32
        %and3A_393 = arith.andi %ne3A_389, %ne3A_392 : i1
        %sub3A_394 = arith.constant 1 : i32
        %sub3A_395 = arith.subi %div3A_374, %sub3A_394 : i32
        %select_n3A_396 = arith.select %and3A_393, %sub3A_395, %div3A_374 : i32
        %rem3A_397 = arith.constant 5 : i32
        %rem3A_398 = arith.remsi %add3A_372, %rem3A_397 : i32
        %mul3A_399 = arith.constant 40 : i32
        %mul3A_400 = arith.muli %rem3A_398, %mul3A_399 : i32
        %dma_wait3A_401 = arith.constant 2 : i32
        %dma_wait3A_402 = arith.constant 0 : i32
        %dma_wait3A_403 = arith.constant 0 : i32
        %dma_wait3A_404 = tpu.memref_slice %arg8[%rem3A_277, %dma_wait3A_401, %dma_wait3A_402, %dma_wait3A_403] : memref<4x3x40x128xf32, #tpu.memory_space<vmem>> -> memref<1x1x40x128xf32, #tpu.memory_space<vmem>>
        %dma_wait3A_405 = tpu.memref_squeeze %dma_wait3A_404 : memref<1x1x40x128xf32, #tpu.memory_space<vmem>> -> memref<40x128xf32, #tpu.memory_space<vmem>>
        %dma_wait3A_406 = arith.constant 256 : i32
        %dma_wait3A_407 = tpu.memref_slice %arg6[%select_n3A_396, %mul3A_400, %dma_wait3A_406] : memref<1024x200x384xf32, #tpu.memory_space<hbm>> -> memref<1x40x128xf32, #tpu.memory_space<hbm>>
        %dma_wait3A_408 = tpu.memref_squeeze %dma_wait3A_407 : memref<1x40x128xf32, #tpu.memory_space<hbm>> -> memref<40x128xf32, #tpu.memory_space<hbm>>
        %dma_wait3A_409 = arith.constant 256 : i32
        %dma_wait3A_410 = tpu.memref_slice %arg6[%select_n3A_396, %mul3A_400, %dma_wait3A_409] : memref<1024x200x384xf32, #tpu.memory_space<hbm>> -> memref<1x40x128xf32, #tpu.memory_space<hbm>>
        %dma_wait3A_411 = tpu.memref_squeeze %dma_wait3A_410 : memref<1x40x128xf32, #tpu.memory_space<hbm>> -> memref<40x128xf32, #tpu.memory_space<hbm>>
        %dma_wait3A_412 = arith.constant 0 : i32
        %dma_wait3A_413 = arith.constant 0 : i32
        %dma_wait3A_414 = tpu.memref_slice %arg8[%rem3A_277, %dma_wait3A_401, %dma_wait3A_412, %dma_wait3A_413] : memref<4x3x40x128xf32, #tpu.memory_space<vmem>> -> memref<1x1x40x128xf32, #tpu.memory_space<vmem>>
        %dma_wait3A_415 = tpu.memref_squeeze %dma_wait3A_414 : memref<1x1x40x128xf32, #tpu.memory_space<vmem>> -> memref<40x128xf32, #tpu.memory_space<vmem>>
        tpu.wait_dma2 semaphore(%arg11 : memref<!tpu.dma_semaphore, #tpu.memory_space<semaphore_mem>>) src(%dma_wait3A_415 : memref<40x128xf32, #tpu.memory_space<vmem>>) dst(%dma_wait3A_411 : memref<40x128xf32, #tpu.memory_space<hbm>>)
      } else {
      }
      %add3A_268 = arith.constant 2 : i32
      %add3A_269 = arith.addi %scan3A_90, %add3A_268 : i32
      %lt3A = arith.constant 160 : i32
      %lt3A_270 = arith.cmpi slt, %add3A_269, %lt3A : i32
      %convert_element_type3A_271 = arith.extui %lt3A_270 : i1 to i32
      %cond3A_272 = arith.constant 0 : i32
      %cond3A_273 = arith.cmpi ne, %convert_element_type3A_271, %cond3A_272 : i32
      scf.if %cond3A_273 {
        %add3A_274 = arith.constant 2 : i32
        %add3A_275 = arith.addi %scan3A_90, %add3A_274 : i32
        %rem3A_276 = arith.constant 4 : i32
        %rem3A_277 = arith.remsi %add3A_275, %rem3A_276 : i32
        %mul3A_278 = arith.constant 40 : i32
        %mul3A_279 = arith.muli %add3A_275, %mul3A_278 : i32
        %add3A_280 = arith.constant 0 : i32
        %add3A_281 = arith.addi %add3A_280, %mul3A_279 : i32
        %dma_start3A_282 = arith.constant 0 : i32
        %dma_start3A_283 = arith.constant 0 : i32
        %dma_start3A_284 = arith.constant 0 : i32
        %dma_start3A_285 = tpu.memref_slice %arg8[%rem3A_277, %dma_start3A_282, %dma_start3A_283, %dma_start3A_284] : memref<4x3x40x128xf32, #tpu.memory_space<vmem>> -> memref<1x1x40x128xf32, #tpu.memory_space<vmem>>
        %dma_start3A_286 = tpu.memref_squeeze %dma_start3A_285 : memref<1x1x40x128xf32, #tpu.memory_space<vmem>> -> memref<40x128xf32, #tpu.memory_space<vmem>>
        %dma_start3A_287 = tpu.memref_slice %arg7[%add3A_281] : memref<19200xi32, #tpu.memory_space<vmem>> -> memref<40xi32, #tpu.memory_space<vmem>>
        %dma_start3A_288 = arith.constant 0 : i32
        %dma_start3A_289 = arith.constant 0 : i32
        %dma_start3A_290 = tpu.memref_slice %arg9[%dma_start3A_288, %dma_start3A_289] : memref<96x128xf32, #tpu.memory_space<vmem_shared>> -> memref<96x128xf32, #tpu.memory_space<vmem_shared>>
        tpu.enqueue_indirect_dma source(%dma_start3A_290 : memref<96x128xf32, #tpu.memory_space<vmem_shared>>) target(%dma_start3A_286 : memref<40x128xf32, #tpu.memory_space<vmem>>) offsets(%dma_start3A_287 : memref<40xi32, #tpu.memory_space<vmem>>) semaphore(%arg10 : memref<!tpu.dma_semaphore, #tpu.memory_space<semaphore_mem>>)
        %mul3A_291 = arith.constant 40 : i32
        %mul3A_292 = arith.muli %add3A_275, %mul3A_291 : i32
        %add3A_293 = arith.constant 6400 : i32
        %add3A_294 = arith.addi %add3A_293, %mul3A_292 : i32
        %dma_start3A_295 = arith.constant 1 : i32
        %dma_start3A_296 = arith.constant 0 : i32
        %dma_start3A_297 = arith.constant 0 : i32
        %dma_start3A_298 = tpu.memref_slice %arg8[%rem3A_277, %dma_start3A_295, %dma_start3A_296, %dma_start3A_297] : memref<4x3x40x128xf32, #tpu.memory_space<vmem>> -> memref<1x1x40x128xf32, #tpu.memory_space<vmem>>
        %dma_start3A_299 = tpu.memref_squeeze %dma_start3A_298 : memref<1x1x40x128xf32, #tpu.memory_space<vmem>> -> memref<40x128xf32, #tpu.memory_space<vmem>>
        %dma_start3A_300 = tpu.memref_slice %arg7[%add3A_294] : memref<19200xi32, #tpu.memory_space<vmem>> -> memref<40xi32, #tpu.memory_space<vmem>>
        %dma_start3A_301 = arith.constant 0 : i32
        %dma_start3A_302 = arith.constant 0 : i32
        %dma_start3A_303 = tpu.memref_slice %arg9[%dma_start3A_301, %dma_start3A_302] : memref<96x128xf32, #tpu.memory_space<vmem_shared>> -> memref<96x128xf32, #tpu.memory_space<vmem_shared>>
        tpu.enqueue_indirect_dma source(%dma_start3A_303 : memref<96x128xf32, #tpu.memory_space<vmem_shared>>) target(%dma_start3A_299 : memref<40x128xf32, #tpu.memory_space<vmem>>) offsets(%dma_start3A_300 : memref<40xi32, #tpu.memory_space<vmem>>) semaphore(%arg10 : memref<!tpu.dma_semaphore, #tpu.memory_space<semaphore_mem>>)
        %mul3A_304 = arith.constant 40 : i32
        %mul3A_305 = arith.muli %add3A_275, %mul3A_304 : i32
        %add3A_306 = arith.constant 12800 : i32
        %add3A_307 = arith.addi %add3A_306, %mul3A_305 : i32
        %dma_start3A_308 = arith.constant 2 : i32
        %dma_start3A_309 = arith.constant 0 : i32
        %dma_start3A_310 = arith.constant 0 : i32
        %dma_start3A_311 = tpu.memref_slice %arg8[%rem3A_277, %dma_start3A_308, %dma_start3A_309, %dma_start3A_310] : memref<4x3x40x128xf32, #tpu.memory_space<vmem>> -> memref<1x1x40x128xf32, #tpu.memory_space<vmem>>
        %dma_start3A_312 = tpu.memref_squeeze %dma_start3A_311 : memref<1x1x40x128xf32, #tpu.memory_space<vmem>> -> memref<40x128xf32, #tpu.memory_space<vmem>>
        %dma_start3A_313 = tpu.memref_slice %arg7[%add3A_307] : memref<19200xi32, #tpu.memory_space<vmem>> -> memref<40xi32, #tpu.memory_space<vmem>>
        %dma_start3A_314 = arith.constant 0 : i32
        %dma_start3A_315 = arith.constant 0 : i32
        %dma_start3A_316 = tpu.memref_slice %arg9[%dma_start3A_314, %dma_start3A_315] : memref<96x128xf32, #tpu.memory_space<vmem_shared>> -> memref<96x128xf32, #tpu.memory_space<vmem_shared>>
        tpu.enqueue_indirect_dma source(%dma_start3A_316 : memref<96x128xf32, #tpu.memory_space<vmem_shared>>) target(%dma_start3A_312 : memref<40x128xf32, #tpu.memory_space<vmem>>) offsets(%dma_start3A_313 : memref<40xi32, #tpu.memory_space<vmem>>) semaphore(%arg10 : memref<!tpu.dma_semaphore, #tpu.memory_space<semaphore_mem>>)
      } else {
      }
    }
    %scan3A_83 = arith.constant 160 : i32
    %scan3A_84 = arith.constant 0 : i32
    %scan3A_85 = arith.constant 158 : i32
    %scan3A_86 = arith.constant 2 : i32
    %scan3A_87 = arith.addi %scan3A_85, %scan3A_86 : i32
    %scan3A_88 = arith.constant 1 : i32
    scf.for %scan3A_90 = %scan3A_85 to %scan3A_87 step %scan3A_88  : i32 {
      %rem3A_91 = arith.constant 4 : i32
      %rem3A_92 = arith.remsi %scan3A_90, %rem3A_91 : i32
      %mul3A_93 = arith.constant 160 : i32
      %mul3A_94 = arith.muli %add3A, %mul3A_93 : i32
      %add3A_95 = arith.addi %mul3A_94, %scan3A_90 : i32
      %jit3A = arith.constant 5 : i32
      %div3A = arith.divsi %add3A_95, %jit3A : i32
      %sign3A = arith.constant 0 : i32
      %sign3A_96 = arith.cmpi sgt, %add3A_95, %sign3A : i32
      %sign3A_97 = arith.extui %sign3A_96 : i1 to i32
      %sign3A_98 = arith.constant 0 : i32
      %sign3A_99 = arith.cmpi slt, %add3A_95, %sign3A_98 : i32
      %sign3A_100 = arith.extui %sign3A_99 : i1 to i32
      %sign3A_101 = arith.subi %sign3A_97, %sign3A_100 : i32
      %sign3A_102 = arith.constant 0 : i32
      %sign3A_103 = arith.cmpi sgt, %jit3A, %sign3A_102 : i32
      %sign3A_104 = arith.extui %sign3A_103 : i1 to i32
      %sign3A_105 = arith.constant 0 : i32
      %sign3A_106 = arith.cmpi slt, %jit3A, %sign3A_105 : i32
      %sign3A_107 = arith.extui %sign3A_106 : i1 to i32
      %sign3A_108 = arith.subi %sign3A_104, %sign3A_107 : i32
      %ne3A = arith.cmpi ne, %sign3A_101, %sign3A_108 : i32
      %rem3A_109 = arith.remsi %add3A_95, %jit3A : i32
      %ne3A_110 = arith.constant 0 : i32
      %ne3A_111 = arith.cmpi ne, %rem3A_109, %ne3A_110 : i32
      %and3A = arith.andi %ne3A, %ne3A_111 : i1
      %sub3A = arith.constant 1 : i32
      %sub3A_112 = arith.subi %div3A, %sub3A : i32
      %select_n3A = arith.select %and3A, %sub3A_112, %div3A : i32
      %rem3A_113 = arith.constant 5 : i32
      %rem3A_114 = arith.remsi %add3A_95, %rem3A_113 : i32
      %mul3A_115 = arith.constant 40 : i32
      %mul3A_116 = arith.muli %rem3A_114, %mul3A_115 : i32
      %dma_wait3A = arith.constant 0 : i32
      %dma_wait3A_117 = arith.constant 0 : i32
      %dma_wait3A_118 = arith.constant 0 : i32
      %dma_wait3A_119 = tpu.memref_slice %arg8[%rem3A_92, %dma_wait3A, %dma_wait3A_117, %dma_wait3A_118] : memref<4x3x40x128xf32, #tpu.memory_space<vmem>> -> memref<1x1x40x128xf32, #tpu.memory_space<vmem>>
      %dma_wait3A_120 = tpu.memref_squeeze %dma_wait3A_119 : memref<1x1x40x128xf32, #tpu.memory_space<vmem>> -> memref<40x128xf32, #tpu.memory_space<vmem>>
      %dma_wait3A_121 = arith.constant 0 : i32
      %dma_wait3A_122 = tpu.memref_slice %arg6[%select_n3A, %mul3A_116, %dma_wait3A_121] : memref<1024x200x384xf32, #tpu.memory_space<hbm>> -> memref<1x40x128xf32, #tpu.memory_space<hbm>>
      %dma_wait3A_123 = tpu.memref_squeeze %dma_wait3A_122 : memref<1x40x128xf32, #tpu.memory_space<hbm>> -> memref<40x128xf32, #tpu.memory_space<hbm>>
      %dma_wait3A_124 = arith.constant 0 : i32
      %dma_wait3A_125 = tpu.memref_slice %arg6[%select_n3A, %mul3A_116, %dma_wait3A_124] : memref<1024x200x384xf32, #tpu.memory_space<hbm>> -> memref<1x40x128xf32, #tpu.memory_space<hbm>>
      %dma_wait3A_126 = tpu.memref_squeeze %dma_wait3A_125 : memref<1x40x128xf32, #tpu.memory_space<hbm>> -> memref<40x128xf32, #tpu.memory_space<hbm>>
      %dma_wait3A_127 = arith.constant 0 : i32
      %dma_wait3A_128 = arith.constant 0 : i32
      %dma_wait3A_129 = tpu.memref_slice %arg8[%rem3A_92, %dma_wait3A, %dma_wait3A_127, %dma_wait3A_128] : memref<4x3x40x128xf32, #tpu.memory_space<vmem>> -> memref<1x1x40x128xf32, #tpu.memory_space<vmem>>
      %dma_wait3A_130 = tpu.memref_squeeze %dma_wait3A_129 : memref<1x1x40x128xf32, #tpu.memory_space<vmem>> -> memref<40x128xf32, #tpu.memory_space<vmem>>
      tpu.wait_dma2 semaphore(%arg11 : memref<!tpu.dma_semaphore, #tpu.memory_space<semaphore_mem>>) src(%dma_wait3A_130 : memref<40x128xf32, #tpu.memory_space<vmem>>) dst(%dma_wait3A_126 : memref<40x128xf32, #tpu.memory_space<hbm>>)
      %mul3A_131 = arith.constant 160 : i32
      %mul3A_132 = arith.muli %add3A, %mul3A_131 : i32
      %add3A_133 = arith.addi %mul3A_132, %scan3A_90 : i32
      %jit3A_134 = arith.constant 5 : i32
      %div3A_135 = arith.divsi %add3A_133, %jit3A_134 : i32
      %sign3A_136 = arith.constant 0 : i32
      %sign3A_137 = arith.cmpi sgt, %add3A_133, %sign3A_136 : i32
      %sign3A_138 = arith.extui %sign3A_137 : i1 to i32
      %sign3A_139 = arith.constant 0 : i32
      %sign3A_140 = arith.cmpi slt, %add3A_133, %sign3A_139 : i32
      %sign3A_141 = arith.extui %sign3A_140 : i1 to i32
      %sign3A_142 = arith.subi %sign3A_138, %sign3A_141 : i32
      %sign3A_143 = arith.constant 0 : i32
      %sign3A_144 = arith.cmpi sgt, %jit3A_134, %sign3A_143 : i32
      %sign3A_145 = arith.extui %sign3A_144 : i1 to i32
      %sign3A_146 = arith.constant 0 : i32
      %sign3A_147 = arith.cmpi slt, %jit3A_134, %sign3A_146 : i32
      %sign3A_148 = arith.extui %sign3A_147 : i1 to i32
      %sign3A_149 = arith.subi %sign3A_145, %sign3A_148 : i32
      %ne3A_150 = arith.cmpi ne, %sign3A_142, %sign3A_149 : i32
      %rem3A_151 = arith.remsi %add3A_133, %jit3A_134 : i32
      %ne3A_152 = arith.constant 0 : i32
      %ne3A_153 = arith.cmpi ne, %rem3A_151, %ne3A_152 : i32
      %and3A_154 = arith.andi %ne3A_150, %ne3A_153 : i1
      %sub3A_155 = arith.constant 1 : i32
      %sub3A_156 = arith.subi %div3A_135, %sub3A_155 : i32
      %select_n3A_157 = arith.select %and3A_154, %sub3A_156, %div3A_135 : i32
      %rem3A_158 = arith.constant 5 : i32
      %rem3A_159 = arith.remsi %add3A_133, %rem3A_158 : i32
      %mul3A_160 = arith.constant 40 : i32
      %mul3A_161 = arith.muli %rem3A_159, %mul3A_160 : i32
      %dma_wait3A_162 = arith.constant 1 : i32
      %dma_wait3A_163 = arith.constant 0 : i32
      %dma_wait3A_164 = arith.constant 0 : i32
      %dma_wait3A_165 = tpu.memref_slice %arg8[%rem3A_92, %dma_wait3A_162, %dma_wait3A_163, %dma_wait3A_164] : memref<4x3x40x128xf32, #tpu.memory_space<vmem>> -> memref<1x1x40x128xf32, #tpu.memory_space<vmem>>
      %dma_wait3A_166 = tpu.memref_squeeze %dma_wait3A_165 : memref<1x1x40x128xf32, #tpu.memory_space<vmem>> -> memref<40x128xf32, #tpu.memory_space<vmem>>
      %dma_wait3A_167 = arith.constant 128 : i32
      %dma_wait3A_168 = tpu.memref_slice %arg6[%select_n3A_157, %mul3A_161, %dma_wait3A_167] : memref<1024x200x384xf32, #tpu.memory_space<hbm>> -> memref<1x40x128xf32, #tpu.memory_space<hbm>>
      %dma_wait3A_169 = tpu.memref_squeeze %dma_wait3A_168 : memref<1x40x128xf32, #tpu.memory_space<hbm>> -> memref<40x128xf32, #tpu.memory_space<hbm>>
      %dma_wait3A_170 = arith.constant 128 : i32
      %dma_wait3A_171 = tpu.memref_slice %arg6[%select_n3A_157, %mul3A_161, %dma_wait3A_170] : memref<1024x200x384xf32, #tpu.memory_space<hbm>> -> memref<1x40x128xf32, #tpu.memory_space<hbm>>
      %dma_wait3A_172 = tpu.memref_squeeze %dma_wait3A_171 : memref<1x40x128xf32, #tpu.memory_space<hbm>> -> memref<40x128xf32, #tpu.memory_space<hbm>>
      %dma_wait3A_173 = arith.constant 0 : i32
      %dma_wait3A_174 = arith.constant 0 : i32
      %dma_wait3A_175 = tpu.memref_slice %arg8[%rem3A_92, %dma_wait3A_162, %dma_wait3A_173, %dma_wait3A_174] : memref<4x3x40x128xf32, #tpu.memory_space<vmem>> -> memref<1x1x40x128xf32, #tpu.memory_space<vmem>>
      %dma_wait3A_176 = tpu.memref_squeeze %dma_wait3A_175 : memref<1x1x40x128xf32, #tpu.memory_space<vmem>> -> memref<40x128xf32, #tpu.memory_space<vmem>>
      tpu.wait_dma2 semaphore(%arg11 : memref<!tpu.dma_semaphore, #tpu.memory_space<semaphore_mem>>) src(%dma_wait3A_176 : memref<40x128xf32, #tpu.memory_space<vmem>>) dst(%dma_wait3A_172 : memref<40x128xf32, #tpu.memory_space<hbm>>)
      %mul3A_177 = arith.constant 160 : i32
      %mul3A_178 = arith.muli %add3A, %mul3A_177 : i32
      %add3A_179 = arith.addi %mul3A_178, %scan3A_90 : i32
      %jit3A_180 = arith.constant 5 : i32
      %div3A_181 = arith.divsi %add3A_179, %jit3A_180 : i32
      %sign3A_182 = arith.constant 0 : i32
      %sign3A_183 = arith.cmpi sgt, %add3A_179, %sign3A_182 : i32
      %sign3A_184 = arith.extui %sign3A_183 : i1 to i32
      %sign3A_185 = arith.constant 0 : i32
      %sign3A_186 = arith.cmpi slt, %add3A_179, %sign3A_185 : i32
      %sign3A_187 = arith.extui %sign3A_186 : i1 to i32
      %sign3A_188 = arith.subi %sign3A_184, %sign3A_187 : i32
      %sign3A_189 = arith.constant 0 : i32
      %sign3A_190 = arith.cmpi sgt, %jit3A_180, %sign3A_189 : i32
      %sign3A_191 = arith.extui %sign3A_190 : i1 to i32
      %sign3A_192 = arith.constant 0 : i32
      %sign3A_193 = arith.cmpi slt, %jit3A_180, %sign3A_192 : i32
      %sign3A_194 = arith.extui %sign3A_193 : i1 to i32
      %sign3A_195 = arith.subi %sign3A_191, %sign3A_194 : i32
      %ne3A_196 = arith.cmpi ne, %sign3A_188, %sign3A_195 : i32
      %rem3A_197 = arith.remsi %add3A_179, %jit3A_180 : i32
      %ne3A_198 = arith.constant 0 : i32
      %ne3A_199 = arith.cmpi ne, %rem3A_197, %ne3A_198 : i32
      %and3A_200 = arith.andi %ne3A_196, %ne3A_199 : i1
      %sub3A_201 = arith.constant 1 : i32
      %sub3A_202 = arith.subi %div3A_181, %sub3A_201 : i32
      %select_n3A_203 = arith.select %and3A_200, %sub3A_202, %div3A_181 : i32
      %rem3A_204 = arith.constant 5 : i32
      %rem3A_205 = arith.remsi %add3A_179, %rem3A_204 : i32
      %mul3A_206 = arith.constant 40 : i32
      %mul3A_207 = arith.muli %rem3A_205, %mul3A_206 : i32
      %dma_wait3A_208 = arith.constant 2 : i32
      %dma_wait3A_209 = arith.constant 0 : i32
      %dma_wait3A_210 = arith.constant 0 : i32
      %dma_wait3A_211 = tpu.memref_slice %arg8[%rem3A_92, %dma_wait3A_208, %dma_wait3A_209, %dma_wait3A_210] : memref<4x3x40x128xf32, #tpu.memory_space<vmem>> -> memref<1x1x40x128xf32, #tpu.memory_space<vmem>>
      %dma_wait3A_212 = tpu.memref_squeeze %dma_wait3A_211 : memref<1x1x40x128xf32, #tpu.memory_space<vmem>> -> memref<40x128xf32, #tpu.memory_space<vmem>>
      %dma_wait3A_213 = arith.constant 256 : i32
      %dma_wait3A_214 = tpu.memref_slice %arg6[%select_n3A_203, %mul3A_207, %dma_wait3A_213] : memref<1024x200x384xf32, #tpu.memory_space<hbm>> -> memref<1x40x128xf32, #tpu.memory_space<hbm>>
      %dma_wait3A_215 = tpu.memref_squeeze %dma_wait3A_214 : memref<1x40x128xf32, #tpu.memory_space<hbm>> -> memref<40x128xf32, #tpu.memory_space<hbm>>
      %dma_wait3A_216 = arith.constant 256 : i32
      %dma_wait3A_217 = tpu.memref_slice %arg6[%select_n3A_203, %mul3A_207, %dma_wait3A_216] : memref<1024x200x384xf32, #tpu.memory_space<hbm>> -> memref<1x40x128xf32, #tpu.memory_space<hbm>>
      %dma_wait3A_218 = tpu.memref_squeeze %dma_wait3A_217 : memref<1x40x128xf32, #tpu.memory_space<hbm>> -> memref<40x128xf32, #tpu.memory_space<hbm>>
      %dma_wait3A_219 = arith.constant 0 : i32
      %dma_wait3A_220 = arith.constant 0 : i32
      %dma_wait3A_221 = tpu.memref_slice %arg8[%rem3A_92, %dma_wait3A_208, %dma_wait3A_219, %dma_wait3A_220] : memref<4x3x40x128xf32, #tpu.memory_space<vmem>> -> memref<1x1x40x128xf32, #tpu.memory_space<vmem>>
      %dma_wait3A_222 = tpu.memref_squeeze %dma_wait3A_221 : memref<1x1x40x128xf32, #tpu.memory_space<vmem>> -> memref<40x128xf32, #tpu.memory_space<vmem>>
      tpu.wait_dma2 semaphore(%arg11 : memref<!tpu.dma_semaphore, #tpu.memory_space<semaphore_mem>>) src(%dma_wait3A_222 : memref<40x128xf32, #tpu.memory_space<vmem>>) dst(%dma_wait3A_218 : memref<40x128xf32, #tpu.memory_space<hbm>>)
    }
    %scan3A_89 = arith.constant 2 : i32
    return
  }
}

</mosaic_0001>

<sc_bundles>
// kernel: kernel.3.cloned.1.call-start
scs
__scs_entry_jumppad:
0x0: {  	(pc) =	sbr.rel $0x88, $3  }
0x1: {  	(tag) =	ssettag $0x0;
	lr =	simm.s32 $0x1  }
0x2: {  	[smem:$0x3F9F] =	sst lr;
	_ =	strace $0xD0000000  }
0x3: {  	_ = 	snop  }
0x4: {  	_ = 	snop  }
0x5: {  	_ = 	snop  }
0x6: {  	_ = 	snop  }
0x7: {  	_ = 	snop  }
__scs_overlays_trampoline_lowered:
0x8: {  	[smem:$0x3FAE] =	sst s0  }
0x9: {  	[smem:$0x3FAF] =	sst s1  }
0xa: {  	[smem:$0x3FB0] =	sst s2  }
0xb: {  	[smem:$0x3FB1] =	sst s3  }
0xc: {  	[smem:$0x3FB2] =	sst s4  }
0xd: {  	[smem:$0x3FB3] =	sst s5  }
0xe: {  	[smem:$0x3FB4] =	sst s6  }
0xf: {  	[smem:$0x3FB5] =	sst s7  }
0x10: {  	[smem:$0x3FB6] =	sst s8  }
0x11: {  	[smem:$0x3FB7] =	sst s9;
	s0 =	simm.s32 @!p0 $0x0  }
0x12: {  	s1 =	sld [smem:$0x3F9D];
	s0 =	simm.s32 @p0 $0x1  }
0x13: {  	[smem:$0x3FB8] =	sst s0;
	s0 =	simm.s32 @!p1 $0x0  }
0x14: {  	s2 =	sld [smem:$0x3F9C];
	s0 =	simm.s32 @p1 $0x1  }
0x15: {  	[smem:$0x3FB9] =	sst s0;
	s0 =	simm.s32 @!p2 $0x0  }
0x16: {  	s3 =	sld [smem:$0x3FDB];
	s0 =	simm.s32 @p2 $0x1  }
0x17: {  	s4 =	simm.s32 $0x1BF5;
	[smem:$0x3FBB] =	sst s0  }
0x18: {  	s0 =	sld [smem:$0x3F9E];
	_ =	swait.ge [sflag:s4], $0x0  }
0x19: {  	s7 =	sld [smem:$0x3F9F]  }
0x1a: {  	s8 =	sadd.s32 $0xFFFFE003, lr  }
0x1b: {  	s9 =	sadd.s32 $0xFFFFFEF7, lr;
	s5 =	simm.s32 $0xFFFFFFFF;
	p2 =	slt.u32 s8, $0xFFFFF086  }
0x1c: {  	p1 =	slt.u32 s9, $0xF7A;
	s5 =	simm.s32 @!p2 $0x0  }
0x1d: {  	s5 =	simm.s32 @p1 $0x1;
	p0 =	seq.s32 s7, s2  }
0x1e: {  	s7 =	smul.u32 @!p0 $0xF7A, s2;
	p2 =	seq.s32 @!p0 s5, $0x0  }
0x1f: {  	s9 =	smul.u32 $0xF7A, s1;
	s8 =	simm.s32 @!p0 $0x1BF5;
	p2 =	por !p2, p0  }
0x20: {  	[sflag:s8] =	ssyncset.s32 @!p0 $0xFFFFF086;
	s6 =	sadd.s32 @!p0 s3, s7;
	s7 =	simm.s32 @!p0 $0x108  }
0x21: {  	s3 =	sadd.s32 s3, s9;
	s6 =	sadd.s32 @!p0 $0x88, s6;
	s7 =	simm.s32 @p2 $0x1082  }
0x22: {  	[simem:s7], [sflag:s8] =	dma.local @!p0 [hbm:s6], $0xF7A  }
0x23: {  	s9 =	sor.u32 $0xD0000000, s2;
	s6 =	simm.s32 $0x108;
	_ =	swait.ge @!p0 [sflag:s8], $0x0  }
0x24: {  	s3 =	sadd.s32 $0x88, s3;
	s6 =	simm.s32 @!p1 $0x1082;
	[sflag:s4] =	ssyncset.s32 $0xFFFFF086  }
0x25: {  	[simem:s6], [sflag:s4] =	dma.local [hbm:s3], $0xF7A  }
0x26: {  	[smem:$0x3F9F] =	sst s1;
	(tag) =	ssettag s2;
	_ =	strace s9  }
0x27: {  	s1 =	sld [smem:$0x3FAF]  }
0x28: {  	s2 =	sld [smem:$0x3FB0]  }
0x29: {  	s4 =	sld [smem:$0x3FB2]  }
0x2a: {  	p0 =	seq.s32 s5, $0x0;
	s5 =	sld [smem:$0x3FB3]  }
0x2b: {  	s6 =	sld [smem:$0x3FB4]  }
0x2c: {  	s7 =	sld [smem:$0x3FB5]  }
0x2d: {  	s3 =	simm.s32 $0x108;
	s8 =	sld [smem:$0x3FB6]  }
0x2e: {  	s3 =	simm.s32 @!p0 $0x1082;
	s9 =	sld [smem:$0x3FB7]  }
0x2f: {  	lr =	sadd.s32 s0, s3;
	s0 =	sld [smem:$0x3FAE]  }
0x30: {  	s3 =	sld [smem:$0x3FB1]  }
0x31: {  	[smem:$0x3FBA] =	sst s10  }
0x32: {  	s10 =	sld [smem:$0x3FB8];
	_ =	sdelay $0x3  }
0x33: {  	p0 =	seq.s32 s10, $0x1;
	s10 =	sld [smem:$0x3FBA];
	_ =	sdelay $0x3  }
0x34: {  	[smem:$0x3FBA] =	sst s10  }
0x35: {  	s10 =	sld [smem:$0x3FB9];
	_ =	sdelay $0x3  }
0x36: {  	p1 =	seq.s32 s10, $0x1;
	s10 =	sld [smem:$0x3FBA];
	_ =	sdelay $0x3  }
0x37: {  	[smem:$0x3FBA] =	sst s10  }
0x38: {  	s10 =	sld [smem:$0x3FBB]  }
0x39: {  	_ = 	snop;
	(pc) =	sbr.ind lr, $3  }
0x3a: {  	_ = 	snop  }
0x3b: {  	_ = 	snop  }
0x3c: {  	p2 =	seq.s32 s10, $0x1;
	s10 =	sld [smem:$0x3FBA]  }
0x3d: {  	_ =	shalt  }
0x3e: {  	_ =	shalt  }
0x3f: {  	_ =	shalt  }
0x40: {  	_ =	shalt  }
0x41: {  	_ =	shalt  }
0x42: {  	_ =	shalt  }
0x43: {  	_ =	shalt  }
0x44: {  	_ =	shalt  }
0x45: {  	_ =	shalt  }
0x46: {  	_ =	shalt  }
0x47: {  	_ =	shalt  }
0x48: {  	_ =	shalt  }
0x49: {  	_ =	shalt  }
0x4a: {  	_ =	shalt  }
0x4b: {  	_ =	shalt  }
0x4c: {  	_ =	shalt  }
0x4d: {  	_ =	shalt  }
0x4e: {  	_ =	shalt  }
0x4f: {  	_ =	shalt  }
0x50: {  	_ =	shalt  }
0x51: {  	_ =	shalt  }
0x52: {  	_ =	shalt  }
0x53: {  	_ =	shalt  }
0x54: {  	_ =	shalt  }
0x55: {  	_ =	shalt  }
0x56: {  	_ =	shalt  }
0x57: {  	_ =	shalt  }
0x58: {  	_ =	shalt  }
0x59: {  	_ =	shalt  }
0x5a: {  	_ =	shalt  }
0x5b: {  	_ =	shalt  }
0x5c: {  	_ =	shalt  }
0x5d: {  	_ =	shalt  }
0x5e: {  	_ =	shalt  }
0x5f: {  	_ =	shalt  }
0x60: {  	_ =	shalt  }
0x61: {  	_ =	shalt  }
0x62: {  	_ =	shalt  }
0x63: {  	_ =	shalt  }
0x64: {  	_ =	shalt  }
0x65: {  	_ =	shalt  }
0x66: {  	_ =	shalt  }
0x67: {  	_ =	shalt  }
0x68: {  	_ =	shalt  }
0x69: {  	_ =	shalt  }
0x6a: {  	_ =	shalt  }
0x6b: {  	_ =	shalt  }
0x6c: {  	_ =	shalt  }
0x6d: {  	_ =	shalt  }
0x6e: {  	_ =	shalt  }
0x6f: {  	_ =	shalt  }
0x70: {  	_ =	shalt  }
0x71: {  	_ =	shalt  }
0x72: {  	_ =	shalt  }
0x73: {  	_ =	shalt  }
0x74: {  	_ =	shalt  }
0x75: {  	_ =	shalt  }
0x76: {  	_ =	shalt  }
0x77: {  	_ =	shalt  }
0x78: {  	_ =	shalt  }
0x79: {  	_ =	shalt  }
0x7a: {  	_ =	shalt  }
0x7b: {  	_ =	shalt  }
0x7c: {  	_ =	shalt  }
0x7d: {  	_ =	shalt  }
0x7e: {  	_ =	shalt  }
0x7f: {  	_ =	shalt  }
0x80: {  	_ =	shalt  }
0x81: {  	_ =	shalt  }
0x82: {  	_ =	shalt  }
0x83: {  	_ =	shalt  }
0x84: {  	_ =	shalt  }
0x85: {  	_ =	shalt  }
0x86: {  	_ =	shalt  }
0x87: {  	_ =	shalt  }
.Lfunc_end0:
.L_simem_size_0:
called_computation_lowered:
.L_overlay_start_0:
0x88: {  	s2 =	sld [smem:$0x3FD9]  }
0x89: {  	s3 =	sld [smem:$0x3FFE];
	_ =	sdelay $0x1  }
0x8a: {  	s1 =	srdreg.scid  }
0x8b: {  	s0 =	sand.u32 $0x1, s1  }
0x8c: {  	s17 =	sshll.u32 s0, $0xA;
	s2 =	sadd.s32 s3, s2  }
0x8d: {  	s2 =	sadd.s32 s2, s17  }
0x8e: {  	[smem:$0x3FC6] =	sst s2  }
0x8f: {  	_ = 	snop  }
0x90: {  	s2 =	sld [smem:$0x3FD0];
	(tm) =	ssettm $0x1  }
0x91: {  	s18 =	sld [smem:$0x3FFB];
	_ =	sdelay $0x3  }
0x92: {  	_ =	strace s18  }
0x93: {  	s3 =	sld [smem:$0x3FFC];
	_ =	sdelay $0x3  }
0x94: {  	_ =	strace s3  }
0x95: {  	s3 =	sld [smem:$0x3FFD];
	_ =	sdelay $0x3  }
0x96: {  	_ =	strace s3  }
0x97: {  	_ =	strace $0x8FFFFFFF  }
0x98: {  	s19 =	sld [smem:$0x3FDB];
	_ =	sdelay $0x1  }
0x99: {  	s4 =	simm.s32 $_scs_section_size  }
0x9a: {  	s5 =	simm.s32 $_size__tile_overlayer_lowered;
	s6 =	simm.s32 $_tile_overlayer_lowered  }
0x9b: {  	s22 =	simm.s32 $0x1BFF;
	s21 =	sshll.u32 s6, $0x1;
	s3 =	sadd.s32 s4, s19  }
0x9c: {  	s7 =	simm.s32 $0x0;
	s20 =	sshll.u32 s5, $0x1;
	s5 =	sadd.s32 s21, s3  }
0x9d: {  	[timem:s7], [sflag:s22] =	dma.local [hbm:s5], s20  }
0x9e: {  	_ =	swait.ge [sflag:s22], s20  }
0x9f: {  	s4 =	ssub.s32 $0x0, s20;
	[sflag:s22] =	ssyncset.done $0x0  }
0xa0: {  	[sflag:s22] =	ssyncadd.s32 s4;
	_ =	sdelay $0x1  }
0xa1: {  	s23 =	simm.s32 $0x1B8B  }
0xa2: {  	_ =	swait.ge [sflag:s23], $0x1  }
0xa3: {  	[sflag:s23] =	ssyncset.done $0x0  }
0xa4: {  	s25 =	simm.s32 $0x1B8E;
	s24 =	sld [smem:$0x3FFE];
	[sflag:s23] =	ssyncadd.s32 $0xFFFFFFFF  }
0xa5: {  	s26 =	simm.s32 $execute0_lowered;
	[smem:$0x3FD2] =	sst s25  }
0xa6: {  	s5 =	sshll.u32 s26, $0x1;
	_ =	strace $0x80000046;
	[dreg:$0x1] =	wrdreg $0xFFFFFFFF  }
0xa7: {  	s28 =	simm.s32 $_size_execute0_lowered;
	s3 =	sadd.s32 s3, s5;
	[dreg:$0x0] =	wrdreg $0x0  }
0xa8: {  	s5 =	sshll.u32 s28, $0x1;
	[dreg:$0x2] =	wrdreg s3  }
0xa9: {  	[dreg:$0x3] =	wrdreg s5  }
0xaa: {  	[dreg:$0x4] =	wrdreg $0xC0  }
0xab: {  	_ =	task [dreg:s7], $0x5FFFF  }
0xac: {  	[dreg:$0x1] =	wrdreg $0xFFFFFFFF  }
0xad: {  	[dreg:$0x0] =	wrdreg $0x60  }
0xae: {  	[dreg:$0x2] =	wrdreg s24  }
0xaf: {  	[dreg:$0x3] =	wrdreg s2  }
0xb0: {  	[dreg:$0x4] =	wrdreg $0x13B000  }
0xb1: {  	[dreg:$0x5] =	wrdreg $0x9  }
0xb2: {  	_ =	task.clear_ibuf [dreg:s7], $0x6FFFF;
	_ =	strace $0x90000046  }
0xb3: {  	s29 =	simm.s32 $0x9;
	_ =	strace $0x80000048  }
0xb4: {  	_ =	swait.ge [sflag:s29], $0x1  }
0xb5: {  	[sflag:s29] =	ssyncadd.s32 $0xFFFFFFFF  }
0xb6: {  	_ =	strace $0x90000048  }
0xb7: {  	_ =	sfence  }
0xb8: {  	s30 =	sld [smem:$0x0];
	_ =	sdelay $0x2  }
0xb9: {  	s31 =	sshll.u32 s1, $0xD;
	s1 =	sshrl.u32 s1, $0x2  }
0xba: {  	s3 =	sand.u32 $0x4000, s31;
	s1 =	sadd.s32 s1, s30  }
0xbb: {  	s0 =	sor.u32 s3, s0;
	s1 =	sshll.u32 s1, $0x11  }
0xbc: {  	s0 =	sor.u32 s1, s0  }
0xbd: {  	s0 =	sadd.s32 $0x8F2B, s0  }
0xbe: {  	[sflag:s0] =	ssyncadd.remote.s32 $0x1  }
0xbf: {  	_ =	sfence.sel $0xFFFF  }
0xc0: {  	[dreg:$0x0] =	wrdreg $0xFFFFFFFF;
	(pc) =	sbr.abs _section_cstart, $3  }
0xc1: {  	[dreg:$0x1] =	wrdreg $0xFFFFFFFF  }
0xc2: {  	_ =	task.clear_ibuf [dreg:s7], $0x2FFFF;
	_ =	strace $0x9FFFFFFF  }
0xc3: {  	(tm) =	ssettm $0x7FFFFFFF  }
tec
execute0_lowered:
.L_overlay_start_1:
0x0: {  	(tag) =	ssettag $0x1  }
0x1: {  	s0 =	rddreg [dreg:$0x0]  }
0x2: {  	s8 =	rddreg [dreg:$0x1]  }
0x3: {  	s1 =	rddreg [dreg:$0x2];
	s2 =	srdreg.scid  }
0x4: {  	s9 =	stileid.u32;
	s12 =	simm.s32 $0x3;
	s13 =	simm.s32 $0x1900  }
0x5: {  	s14 =	simm.s32 $0x3200;
	s15 =	simm.s32 $0x28;
	s21 =	simm.s32 $0x9B00  }
0x6: {  	s22 =	simm.s32 $0x3228;
	s23 =	simm.s32 $0xAF00;
	s24 =	simm.s32 $0x1  }
0x7: {  	s25 =	simm.s32 $0x400;
	s28 =	simm.s32 $0x2;
	s29 =	simm.s32 $0x0  }
0x8: {  	s4 =	sand.u32 $0x1, s2;
	s2 =	simm.s32 $0x0;
	s11 =	smul.u32 $0x258000, s9  }
0x9: {  	p0 =	sne.s32 s9, $0x0;
	s3 =	sshll.u32 s4, $0x4;
	[smem:$0x7FF] =	sst s2  }
0xa: {  	s6 =	ssub.s32 $0x2, s4;
	s10 =	smul.u32 $0x2580000, s4;
	s3 =	sor.u32 s9, s3  }
0xb: {  	_ =	strace $0x80000047;
	s26 =	sshrl.u32 s6, $0x1;
	s5 =	smul.u32 $0x320, s3  }
0xc: {  	s3 =	sadd.s32 $0x13200, s0;
	s7 =	ssub.s32 s6, s26;
	s30 =	sadd.s32 s11, s10  }
0xd: {  	s26 =	simm.s32 $0xC00;
	s7 =	smax.u32 s7, $0x1;
	s0 =	sadd.s32 s5, s0  }
0xe: {  	s10 =	sshrl.u32 s30, $0x3;
	s11 =	sor.u32 $0x400, s30;
	s4 =	sadd.s32 $0xCE00, s0  }
0xf: {  	s5 =	sadd.s32 $0x6A00, s0;
	s6 =	sadd.s32 $0x600, s0;
	s0 =	sor.u32 $0x800, s30  }
0x10: {  	s17 =	sadd.s32 s10, s8;
	s31 =	sshrl.u32 s11, $0x3;
	s0 =	sshrl.u32 s0, $0x3  }
0x11: {  	s11 =	sshrl.u32 @!p0 s1, $0x3;
	s16 =	sadd.s32 s31, s8;
	s0 =	sadd.s32 s0, s8  }
.LBB2_1:
0x12: {  	s8 =	simm.s32 @!p0 $0x1C03  }
0x13: {  	[spmem:s11], [sflag:s8] =	dma.local @!p0 [hbm:s3], $0x600  }
0x14: {  	s8 =	simm.s32 @!p0 $0x3  }
0x15: {  	_ =	swait.ge @!p0 [sflag:s8], $0x600  }
0x16: {  	[sflag:s8] =	ssyncset.done @!p0 $0x0  }
0x17: {  	[sflag:s8] =	ssyncadd.s32 @!p0 $0xFFFFFA00  }
0x18: {  	[bflag:$0x0] =	sbarrier.arrive $0xFFFF  }
0x19: {  	[tilespmem:s2], [sflag:$0x3] =	stream.linear.gather [hbm4b:s4+s2], $0x1900, $0x38;
	[tilespmem:$0x13E00] =	vst v63  }
0x1a: {  	_ =	swait.ge [sflag:s12], $0x1900  }
0x1b: {  	[sflag:s12] =	ssyncset.done $0x0  }
0x1c: {  	[sflag:s12] =	ssyncadd.s32 $0xFFFFE700  }
0x1d: {  	[tilespmem:s13], [sflag:$0x3] =	stream.linear.gather [hbm4b:s5+s2], $0x1900, $0x38;
	[tilespmem:$0x13E00] =	vst v63  }
0x1e: {  	_ =	swait.ge [sflag:s12], $0x1900  }
0x1f: {  	[sflag:s12] =	ssyncset.done $0x0  }
0x20: {  	[sflag:s12] =	ssyncadd.s32 $0xFFFFE700  }
0x21: {  	[tilespmem:s14], [sflag:$0x3] =	stream.linear.gather [hbm4b:s6+s2], $0x1900, $0x38;
	[tilespmem:$0x13E00] =	vst v63  }
0x22: {  	_ =	swait.ge [sflag:s12], $0x1900  }
0x23: {  	[sflag:s12] =	ssyncset.done $0x0  }
0x24: {  	s8 =	sand.u32 $0x1FF0, s2;
	[sflag:s12] =	ssyncadd.s32 $0xFFFFE700  }
0x25: {  	s9 =	simm.s32 $0x10;
	v0 =	vld [tilespmem:s8+$0x1900]  }
.LBB2_2:
0x26: {  	p1 =	sne.s32 s9, $0x18F0;
	v1 =	vld [tilespmem:s8+$0x3200];
	_ =	sdelay $0x1  }
.Ltmp0:
0x27: {  	(pc) =	sbr.rel @p1 .LBB2_2-.Ltmp0, $4  }
0x28: {  	_ = 	snop  }
0x29: {  	v0 =	vadd.s32 $0x20, v0  }
0x2a: {  	s10 =	sand.u32 $0x1FF0, s9;
	[tilespmem:s8+$0x1900] =	vst v0;
	v1 =	vadd.s32 $0x40, v1  }
0x2b: {  	s9 =	sadd.s32 $0x10, s9;
	v0 =	vld [tilespmem:s10+$0x1900];
	[tilespmem:s8+$0x3200] =	vst v1;
	s8 =	smov.u32 s10  }
0x2c: {  	v1 =	vld [tilespmem:s8+$0x3200];
	_ =	sdelay $0x3  }
0x2d: {  	v0 =	vadd.s32 $0x20, v0  }
0x2e: {  	[tilespmem:s8+$0x1900] =	vst v0;
	v63 =	vadd.s32 $0x40, v1  }
0x2f: {  	s30 =	simm.s32 $0x0;
	s9 =	simm.s32 $0x4B00;
	[tilespmem:s8+$0x3200] =	vst v63  }
0x30: {  	[tilespmem:s9], [sflag:$0x1] =	stream.indirect.gather [spmem:s1], $0x80, s30, s15, $0xb8;
	[tilespmem:$0x13E00] =	vst v63  }
0x31: {  	s10 =	simm.s32 $0x5F00  }
0x32: {  	[tilespmem:s10], [sflag:$0x1] =	stream.indirect.gather [spmem:s1], $0x80, s13, s15, $0xb8;
	[tilespmem:$0x13E00] =	vst v63  }
0x33: {  	s18 =	simm.s32 $0x7300  }
0x34: {  	[tilespmem:s18], [sflag:$0x1] =	stream.indirect.gather [spmem:s1], $0x80, s14, s15, $0xb8;
	[tilespmem:$0x13E00] =	vst v63  }
0x35: {  	s19 =	simm.s32 $0x8700  }
0x36: {  	[tilespmem:s19], [sflag:$0x1] =	stream.indirect.gather [spmem:s1], $0x80, s15, s15, $0xb8;
	[tilespmem:$0x13E00] =	vst v63  }
0x37: {  	s20 =	simm.s32 $0x1928;
	s31 =	simm.s32 $0x3250  }
0x38: {  	[tilespmem:s21], [sflag:$0x1] =	stream.indirect.gather [spmem:s1], $0x80, s20, s15, $0xb8;
	[tilespmem:$0x13E00] =	vst v63  }
0x39: {  	s8 =	smov.u32 s17;
	s9 =	smov.u32 s16;
	s10 =	smov.u32 s0  }
0x3a: {  	[tilespmem:s23], [sflag:$0x1] =	stream.indirect.gather [spmem:s1], $0x80, s22, s15, $0xb8;
	[tilespmem:$0x13E00] =	vst v63  }
.LBB2_4:
0x3b: {  	_ =	swait.ge [sflag:s24], $0x1400  }
0x3c: {  	[sflag:s24] =	ssyncset.done $0x0  }
0x3d: {  	[sflag:s24] =	ssyncadd.s32 $0xFFFFEC00  }
0x3e: {  	_ =	swait.ge [sflag:s24], $0x1400  }
0x3f: {  	s18 =	sand.u32 $0x3, s30;
	[sflag:s24] =	ssyncset.done $0x0  }
0x40: {  	s18 =	smul.u32 $0xF000, s18;
	[sflag:s24] =	ssyncadd.s32 $0xFFFFEC00  }
0x41: {  	_ =	swait.ge [sflag:s24], $0x1400  }
0x42: {  	s18 =	sshrl.u32 s18, $0x2;
	[sflag:s24] =	ssyncset.done $0x0  }
0x43: {  	s19 =	sadd.s32 $0x4B00, s18;
	[sflag:s24] =	ssyncadd.s32 $0xFFFFEC00  }
0x44: {  	[hbm4b:s8+s25] =	stream.strided.scatter [tilespmem:s19], [sflag:$0x2], $0x1400, s26, s25, $0x38;
	[tilespmem:$0x13E00] =	vst v63  }
0x45: {  	s20 =	sadd.s32 $0x5F00, s18  }
0x46: {  	[hbm4b:s9+s25] =	stream.strided.scatter [tilespmem:s20], [sflag:$0x2], $0x1400, s26, s25, $0x38;
	[tilespmem:$0x13E00] =	vst v63  }
0x47: {  	p1 =	slt.u32 s30, $0x2;
	s18 =	sadd.s32 $0x7300, s18  }
0x48: {  	[hbm4b:s10+s25] =	stream.strided.scatter [tilespmem:s18], [sflag:$0x2], $0x1400, s26, s25, $0x38;
	[tilespmem:$0x13E00] =	vst v63  }
0x49: {  	s18 =	simm.s32 @!p1 $0x2  }
0x4a: {  	_ =	swait.ge @!p1 [sflag:s18], $0x1400  }
0x4b: {  	[sflag:s18] =	ssyncset.done @!p1 $0x0  }
0x4c: {  	[sflag:s18] =	ssyncadd.s32 @!p1 $0xFFFFEC00  }
0x4d: {  	_ =	swait.ge @!p1 [sflag:s18], $0x1400  }
0x4e: {  	[sflag:s18] =	ssyncset.done @!p1 $0x0  }
0x4f: {  	[sflag:s18] =	ssyncadd.s32 @!p1 $0xFFFFEC00  }
0x50: {  	p2 =	sgt.u32 @!p1 s30, $0x9D;
	_ =	swait.ge @!p1 [sflag:s18], $0x1400  }
0x51: {  	p2 =	por p1, !p2;
	[sflag:s18] =	ssyncset.done @!p1 $0x0  }
0x52: {  	[sflag:s18] =	ssyncadd.s32 @!p1 $0xFFFFEC00;
	s18 =	sadd.s32 @p2 $0x2, s30  }
0x53: {  	s18 =	sand.u32 @p2 $0x3, s18  }
0x54: {  	s18 =	smul.u32 @p2 $0xF000, s18;
	_ =	sdelay $0x1  }
0x55: {  	s30 =	sadd.s32 $0x1, s30;
	s18 =	sshrl.u32 @p2 s18, $0x2  }
0x56: {  	s20 =	sadd.s32 @p2 $0xFFFFCE00, s31;
	p1 =	sne.s32 s30, $0xA0;
	s19 =	sadd.s32 @p2 $0x4B00, s18  }
0x57: {  	[tilespmem:s19], [sflag:$0x1] =	stream.indirect.gather @p2 [spmem:s1], $0x80, s20, s15, $0xb8;
	[tilespmem:$0x13E00] =	vst v63  }
.Ltmp1:
0x58: {  	s19 =	sadd.s32 @p2 $0x5F00, s18;
	s20 =	sadd.s32 @p2 $0xFFFFE700, s31;
	(pc) =	sbr.rel @p1 .LBB2_4-.Ltmp1, $4  }
0x59: {  	[tilespmem:s19], [sflag:$0x1] =	stream.indirect.gather @p2 [spmem:s1], $0x80, s20, s15, $0xb8;
	[tilespmem:$0x13E00] =	vst v63  }
0x5a: {  	s8 =	sadd.s32 $0x780, s8;
	s18 =	sadd.s32 @p2 $0x7300, s18  }
0x5b: {  	[tilespmem:s18], [sflag:$0x1] =	stream.indirect.gather @p2 [spmem:s1], $0x80, s31, s15, $0xb8;
	[tilespmem:$0x13E00] =	vst v63  }
0x5c: {  	s9 =	sadd.s32 $0x780, s9;
	s10 =	sadd.s32 $0x780, s10;
	s31 =	sadd.s32 $0x28, s31  }
0x5d: {  	_ =	swait.ge [sflag:s28], $0x1400  }
0x5e: {  	[sflag:s28] =	ssyncset.done $0x0  }
0x5f: {  	[sflag:s28] =	ssyncadd.s32 $0xFFFFEC00  }
0x60: {  	_ =	swait.ge [sflag:s28], $0x1400  }
0x61: {  	[sflag:s28] =	ssyncset.done $0x0  }
0x62: {  	[sflag:s28] =	ssyncadd.s32 $0xFFFFEC00  }
0x63: {  	_ =	swait.ge [sflag:s28], $0x1400  }
0x64: {  	[sflag:s28] =	ssyncset.done $0x0  }
0x65: {  	[sflag:s28] =	ssyncadd.s32 $0xFFFFEC00  }
0x66: {  	_ =	swait.ge [sflag:s28], $0x1400  }
0x67: {  	[sflag:s28] =	ssyncset.done $0x0  }
0x68: {  	s29 =	sadd.s32 $0x1, s29;
	[sflag:s28] =	ssyncadd.s32 $0xFFFFEC00  }
0x69: {  	p1 =	sne.s32 s29, s7;
	_ =	swait.ge [sflag:s28], $0x1400  }
.Ltmp2:
0x6a: {  	[sflag:s28] =	ssyncset.done $0x0;
	(pc) =	sbr.rel @p1 .LBB2_1-.Ltmp2, $4  }
0x6b: {  	[sflag:s28] =	ssyncadd.s32 $0xFFFFEC00  }
0x6c: {  	_ =	swait.ge [sflag:s28], $0x1400  }
0x6d: {  	[sflag:s28] =	ssyncset.done $0x0  }
0x6e: {  	[sflag:s28] =	ssyncadd.s32 $0xFFFFEC00  }
0x6f: {  	_ =	sfence.sel $0x180000  }
0x70: {  	[bflag:$0x0] =	sbarrier.arrive $0xFFFF  }
0x71: {  	_ =	strace $0x90000047  }
0x72: {  	[bflag:$0x2] =	sbarrier.arrive $0xFFFF  }
0x73: {  	s0 =	rddreg [dreg:$0x3]  }
0x74: {  	s0 =	sadd.s32 @!p0 $0x100000, s0  }
0x75: {  	[sflag:s0] =	ssyncadd.tile.s32 @!p0 $0x1;
	_ =	shalt  }
.Lfunc_end2:
_tile_overlayer_lowered:
.L_overlay_start_2:
0x76: {  	(tag) =	ssettag $0x2  }
0x77: {  	s0 =	rddreg [dreg:$0x0];
	s2 =	stileid.u32  }
0x78: {  	s1 =	rddreg [dreg:$0x1];
	p0 =	sne.s32 s2, $0x0  }
0x79: {  	s3 =	rddreg [dreg:$0x2];
	[bflag:$0x3] =	sbarrier.arrive $0xFFFF;
	s2 =	simm.s32 @!p0 $0x1C03  }
0x7a: {  	[timem:s3], [sflag:s2] =	dma.local @!p0 [hbm:s0], s1  }
0x7b: {  	s0 =	simm.s32 @!p0 $0x3  }
0x7c: {  	_ =	swait.ge @!p0 [sflag:s0], s1  }
0x7d: {  	s1 =	ssub.s32 @!p0 $0x0, s1;
	[sflag:s0] =	ssyncset.done @!p0 $0x0  }
0x7e: {  	[sflag:s0] =	ssyncadd.s32 @!p0 s1  }
0x7f: {  	[bflag:$0x3] =	sbarrier.arrive $0xFFFF  }
0x80: {  	_ =	shalt  }

</sc_bundles>
